<compile_context>
chip_gen: v7x
topology: tpu7x:2x2x1
jax: 0.10.2.dev20260603
libtpu: 0.0.44.dev20260713+nightly
codegen_flags: <defaults>
</compile_context>

<pallas_src>
import functools

import jax
import jax.numpy as jnp
from jax import lax
from jax.experimental import pallas as pl
from jax.experimental.pallas import tpu as pltpu
from jax.experimental.pallas import tpu_sc as plsc

_NUM_SEG = 256
_N = 100000
_D = 128
_BLK = 10000
_NBLK = _N // _BLK

_NW = 32
_CH = 128
_BIG = 13
_ROWS_BIG = 25 * _CH
_ROWS_SMALL = 24 * _CH
_EPI_BASE = 99968
_EPI_ROWS = 32
_ROW = _D + 16



def _score_body(x_ref, w1_ref, b1_ref, w2_ref, s_ref):
    x = x_ref[...]
    h = jnp.tanh(
        jnp.dot(x.astype(jnp.bfloat16), w1_ref[...],
                preferred_element_type=jnp.float32) + b1_ref[...])
    s_ref[...] = jnp.dot(h.astype(jnp.bfloat16), w2_ref[...],
                         preferred_element_type=jnp.float32)


def _scores(x, W1, b1, W2):
    return pl.pallas_call(
        _score_body,
        grid=(_NBLK,),
        in_specs=[
            pl.BlockSpec((_BLK, _D), lambda i: (i, 0)),
            pl.BlockSpec((_D, 64), lambda i: (0, 0)),
            pl.BlockSpec((1, 64), lambda i: (0, 0)),
            pl.BlockSpec((64, 1), lambda i: (0, 0)),
        ],
        out_specs=pl.BlockSpec((_BLK, 1), lambda i: (i, 0)),
        out_shape=jax.ShapeDtypeStruct((_N, 1), jnp.float32),
        compiler_params=pltpu.CompilerParams(
            dimension_semantics=("arbitrary",),
        ),
    )(x, W1.astype(jnp.bfloat16), b1.reshape(1, 64).astype(jnp.float32),
      W2.astype(jnp.bfloat16))



def _sc_pool_build():
    mesh = plsc.VectorSubcoreMesh(core_axis_name="c", subcore_axis_name="s")

    @functools.partial(
        pl.kernel,
        mesh=mesh,
        out_type=[
            jax.ShapeDtypeStruct((_NW, _NUM_SEG * _ROW), jnp.float32),
        ],
        scratch_types=[
            pltpu.VMEM((_NUM_SEG * _ROW,), jnp.float32),
            pltpu.VMEM((_CH * _D,), jnp.float32),
            pltpu.VMEM((_CH,), jnp.float32),
            pltpu.VMEM((_CH + 16,), jnp.float32),
            pltpu.VMEM((_CH + 16,), jnp.float32),
        ],
    )
    def pool(xf_hbm, s_hbm, b_hbm, part_hbm,
             acc, xc, sc, bc, exc):
        cid = lax.axis_index("c")
        sid = lax.axis_index("s")
        wid = cid * 16 + sid

        zero16 = jnp.zeros((16,), jnp.float32)
        lanes = lax.broadcasted_iota(jnp.int32, (16,), 0)
        unit16 = (lanes == 0).astype(jnp.float32)

        def _zero_acc(g, carry):
            acc[pl.ds(g * 16, 16)] = zero16
            return carry
        lax.fori_loop(0, (_NUM_SEG * _ROW) // 16, _zero_acc, 0)

        base = jnp.where(wid < _BIG, _ROWS_BIG * wid,
                         _BIG * _ROWS_BIG + _ROWS_SMALL * (wid - _BIG))
        nchunks = jnp.where(wid < _BIG, 25, 24)

        def _row_update(r, carry):
            seg = bc[pl.ds(r, 16)][0].astype(jnp.int32)
            wv = zero16 + exc[pl.ds(r, 16)][0]
            rb = r * _D
            sb = seg * _ROW
            for k in range(_D // 16):
                xv = xc[pl.ds(rb + k * 16, 16)]
                acc[pl.ds(sb + k * 16, 16)] += xv * wv
            acc[pl.ds(sb + _D, 16)] += wv
            return carry

        def _load_chunk(row0, nrows):
            pltpu.sync_copy(xf_hbm.at[pl.ds(row0 * _D, nrows * _D)],
                            xc.at[pl.ds(0, nrows * _D)])
            pltpu.sync_copy(s_hbm.at[pl.ds(row0, nrows)],
                            sc.at[pl.ds(0, nrows)])
            pltpu.sync_copy(b_hbm.at[pl.ds(row0, nrows)],
                            bc.at[pl.ds(0, nrows)])
            for g in range(nrows // 16):
                exc[pl.ds(g * 16, 16)] = jnp.exp(sc[pl.ds(g * 16, 16)])

        def _chunk(c, carry):
            _load_chunk(base + c * _CH, _CH)
            lax.fori_loop(0, _CH, _row_update, 0)
            return carry
        lax.fori_loop(0, nchunks, _chunk, 0)

        @pl.when(wid == _NW - 1)
        def _epilogue():
            _load_chunk(_EPI_BASE, _EPI_ROWS)
            lax.fori_loop(0, _EPI_ROWS, _row_update, 0)

        pltpu.sync_copy(acc, part_hbm.at[wid])

    return pool


_sc_pool = _sc_pool_build()



def _combine_body(part_ref, out_ref):
    a = jnp.sum(part_ref[...].reshape(_NW, _NUM_SEG, _ROW), axis=0)
    p = a[:, :_D]
    d = jnp.sum(a[:, _D:], axis=1, keepdims=True) * (1.0 / 16.0)
    out_ref[...] = p * (1.0 / (d + 1e-16))


def _combine(part):
    return pl.pallas_call(
        _combine_body,
        out_shape=jax.ShapeDtypeStruct((_NUM_SEG, _D), jnp.float32),
    )(part)


@jax.jit
def kernel(x, batch, W1, b1, W2, b2):
    del b2
    s = _scores(x, W1, b1, W2).reshape(_N)
    bt = batch.astype(jnp.int32).astype(jnp.float32)
    part, = _sc_pool(x.reshape(_N * _D), s, bt)
    return _combine(part)

# --- scband reference (transcript-rebuilt; emitter-appended) ---
"""Pipeline reference for scband-graph-attention-pooling-16793322128118 (READ-ONLY COPY).

The authoritative reference and input builder live on the scoring server;
editing this copy changes nothing except your own understanding.
"""

import jax, jax.numpy as jnp
import numpy as np

NUM_SEGMENTS = 256


def setup_inputs(seed: int = 0) -> dict:
    key = jax.random.key(seed)
    k1, k2, k3, k4 = jax.random.split(key, 4)
    x = jax.random.normal(k1, (100000, 128), dtype=jnp.float32)
    batch = jnp.sort(jax.random.randint(k2, (100000,), 0, NUM_SEGMENTS).astype(jnp.int64))
    # attention_weights = Linear(128 -> 64) -> Tanh -> Linear(64 -> 1)
    W1 = jax.random.normal(k3, (128, 64), dtype=jnp.float32) * 0.05
    b1 = jnp.zeros((64,), dtype=jnp.float32)
    W2 = jax.random.normal(k4, (64, 1), dtype=jnp.float32) * 0.05
    b2 = jnp.zeros((1,), dtype=jnp.float32)
    return {"x": x, "batch": batch, "W1": W1, "b1": b1, "W2": W2, "b2": b2}


def reference(x, batch, W1, b1, W2, b2):
    # attn_scores = MLP(x) -> [N, 1]
    h = jnp.tanh(x @ W1 + b1)
    scores = (h @ W2 + b2)[:, 0]  # [N]
    # segment softmax over batch ids (torch_geometric.utils.softmax)
    seg_max = jax.ops.segment_max(scores, batch, num_segments=NUM_SEGMENTS)
    seg_max = jnp.where(jnp.isfinite(seg_max), seg_max, 0.0)
    ex = jnp.exp(scores - seg_max[batch])
    denom = jax.ops.segment_sum(ex, batch, num_segments=NUM_SEGMENTS)
    attn_w = ex / (denom[batch] + 1e-16)  # [N]
    # global_add_pool(x * attn_w, batch) -> [B, d]
    pooled = jax.ops.segment_sum(x * attn_w[:, None], batch, num_segments=NUM_SEGMENTS)
    return pooled

if __name__ == "__main__":
    import jax
    _d = setup_inputs()
    print(jax.jit(kernel)(*tuple(_d.values())))

</pallas_src>

<mosaic_0001>
#map = affine_map<(d0, d1) -> (0)>
#map1 = affine_map<(d0, d1) -> (0, 0)>
module attributes {stable_mosaic.version = 14 : i64} {
  func.func @pool(%arg0: i32, %arg1: i32, %arg2: memref<12800000xf32, #tpu.memory_space<hbm>>, %arg3: memref<100000xf32, #tpu.memory_space<hbm>>, %arg4: memref<100000xf32, #tpu.memory_space<hbm>>, %arg5: memref<32x36864xf32, #tpu.memory_space<hbm>>, %arg6: memref<36864xf32, #tpu.memory_space<vmem>>, %arg7: memref<16384xf32, #tpu.memory_space<vmem>>, %arg8: memref<128xf32, #tpu.memory_space<vmem>>, %arg9: memref<144xf32, #tpu.memory_space<vmem>>, %arg10: memref<144xf32, #tpu.memory_space<vmem>>) attributes {dimension_semantics = [#tpu.dimension_semantics<core_parallel>, #tpu.dimension_semantics<subcore_parallel>], iteration_bounds = array<i64: 2, 16>, scalar_prefetch = 0 : i64, scratch_operands = 5 : i64, tpu.core_type = #tpu.core_type<sc_vector_subcore>, window_params = [{transform_indices = #map}, {transform_indices = #map}, {transform_indices = #map}, {transform_indices = #map1}]} {
    %mul3A = arith.constant 16 : i32
    %mul3A_0 = arith.muli %arg0, %mul3A : i32
    %add3A = arith.addi %mul3A_0, %arg1 : i32
    %broadcast_in_dim3A = arith.constant 0.000000e+00 : f32
    %broadcast_in_dim3A_1 = vector.broadcast %broadcast_in_dim3A : f32 to vector<16xf32>
    %iota3A = tpu.iota {dimensions = array<i32: 0>} : vector<16xi32>
    %eq3A = arith.constant 0 : i32
    %eq3A_2 = vector.broadcast %eq3A : i32 to vector<16xi32>
    %eq3A_3 = arith.cmpi eq, %iota3A, %eq3A_2 : vector<16xi32>
    %convert_element_type3A = arith.extui %eq3A_3 : vector<16xi1> to vector<16xi32>
    %convert_element_type3A_4 = arith.sitofp %convert_element_type3A : vector<16xi32> to vector<16xf32>
    %scan3A = arith.constant 0 : i32
    %scan3A_5 = arith.constant 0 : i32
    %scan3A_6 = arith.constant 2304 : i32
    %scan3A_7 = arith.addi %scan3A_5, %scan3A_6 : i32
    %scan3A_8 = arith.constant 1 : i32
    scf.for %scan3A_35 = %scan3A_5 to %scan3A_7 step %scan3A_8  : i32 {
      %mul3A_36 = arith.constant 16 : i32
      %mul3A_37 = arith.muli %scan3A_35, %mul3A_36 : i32
      %swap3A = arith.index_cast %mul3A_37 : i32 to index
      %swap3A_38 = tpu.vector_load %arg6[%swap3A] {strides = array<i32>} : memref<36864xf32, #tpu.memory_space<vmem>>, vector<16xf32>,
      %swap3A_39 = vector.shape_cast %swap3A_38 : vector<16xf32> to vector<16xf32>
      %swap3A_40 = vector.shape_cast %broadcast_in_dim3A_1 : vector<16xf32> to vector<16xf32>
      tpu.vector_store %arg6[%swap3A], %swap3A_40 {strides = array<i32>} : memref<36864xf32, #tpu.memory_space<vmem>>, vector<16xf32>,
    }
    %scan3A_9 = arith.constant 2304 : i32
    %lt3A = arith.constant 13 : i32
    %lt3A_10 = arith.cmpi slt, %add3A, %lt3A : i32
    %mul3A_11 = arith.constant 3200 : i32
    %mul3A_12 = arith.muli %mul3A_11, %add3A : i32
    %sub3A = arith.constant 13 : i32
    %sub3A_13 = arith.subi %add3A, %sub3A : i32
    %mul3A_14 = arith.constant 3072 : i32
    %mul3A_15 = arith.muli %mul3A_14, %sub3A_13 : i32
    %add3A_16 = arith.constant 41600 : i32
    %add3A_17 = arith.addi %add3A_16, %mul3A_15 : i32
    %select_n3A = arith.select %lt3A_10, %mul3A_12, %add3A_17 : i32
    %lt3A_18 = arith.constant 13 : i32
    %lt3A_19 = arith.cmpi slt, %add3A, %lt3A_18 : i32
    %jit3A = arith.constant 25 : i32
    %jit3A_20 = arith.constant 24 : i32
    %select_n3A_21 = arith.select %lt3A_19, %jit3A, %jit3A_20 : i32
    %while3A = arith.constant 0 : i32
    %while3A_22 = arith.constant 0 : i32
    %while3A_23 = arith.subi %select_n3A_21, %while3A_22 : i32
    %while3A_24 = arith.addi %while3A_22, %while3A_23 : i32
    %while3A_25 = arith.constant 1 : i32
    %while3A_26 = arith.divsi %while3A_23, %while3A_25 : i32
    %while3A_27 = arith.muli %while3A_26, %while3A_25 : i32
    %while3A_28 = arith.addi %while3A_22, %while3A_27 : i32
    %while3A_29 = arith.constant 1 : i32
    scf.for %while3A_35 = %while3A_22 to %while3A_28 step %while3A_29  : i32 {
      %mul3A_36 = arith.constant 128 : i32
      %mul3A_37 = arith.muli %while3A_35, %mul3A_36 : i32
      %add3A_38 = arith.addi %select_n3A, %mul3A_37 : i32
      %mul3A_39 = arith.constant 128 : i32
      %mul3A_40 = arith.muli %add3A_38, %mul3A_39 : i32
      "tpu.region"() ({
        %run_scoped3A = tpu.sem_alloc : memref<!tpu.dma_semaphore, #tpu.memory_space<semaphore_mem>>
        %dma_start3A = arith.constant 0 : i32
        %dma_start3A_108 = tpu.memref_slice %arg7[%dma_start3A] : memref<16384xf32, #tpu.memory_space<vmem>> -> memref<16384xf32, #tpu.memory_space<vmem>>
        %dma_start3A_109 = tpu.memref_slice %arg2[%mul3A_40] : memref<12800000xf32, #tpu.memory_space<hbm>> -> memref<16384xf32, #tpu.memory_space<hbm>>
        %dma_start3A_110 = arith.constant 0 : i32
        %dma_start3A_111 = tpu.memref_slice %arg7[%dma_start3A_110] : memref<16384xf32, #tpu.memory_space<vmem>> -> memref<16384xf32, #tpu.memory_space<vmem>>
        %dma_start3A_112 = tpu.memref_slice %arg2[%mul3A_40] : memref<12800000xf32, #tpu.memory_space<hbm>> -> memref<16384xf32, #tpu.memory_space<hbm>>
        tpu.enqueue_dma source(%dma_start3A_112 : memref<16384xf32, #tpu.memory_space<hbm>>) target(%dma_start3A_111 : memref<16384xf32, #tpu.memory_space<vmem>>) target_semaphore(%run_scoped3A : memref<!tpu.dma_semaphore, #tpu.memory_space<semaphore_mem>>)
        %dma_wait3A = arith.constant 0 : i32
        %dma_wait3A_113 = tpu.memref_slice %arg7[%dma_wait3A] : memref<16384xf32, #tpu.memory_space<vmem>> -> memref<16384xf32, #tpu.memory_space<vmem>>
        %dma_wait3A_114 = tpu.memref_slice %arg2[%mul3A_40] : memref<12800000xf32, #tpu.memory_space<hbm>> -> memref<16384xf32, #tpu.memory_space<hbm>>
        %dma_wait3A_115 = arith.constant 0 : i32
        %dma_wait3A_116 = tpu.memref_slice %arg7[%dma_wait3A_115] : memref<16384xf32, #tpu.memory_space<vmem>> -> memref<16384xf32, #tpu.memory_space<vmem>>
        %dma_wait3A_117 = tpu.memref_slice %arg2[%mul3A_40] : memref<12800000xf32, #tpu.memory_space<hbm>> -> memref<16384xf32, #tpu.memory_space<hbm>>
        tpu.wait_dma2 semaphore(%run_scoped3A : memref<!tpu.dma_semaphore, #tpu.memory_space<semaphore_mem>>) src(%dma_wait3A_117 : memref<16384xf32, #tpu.memory_space<hbm>>) dst(%dma_wait3A_116 : memref<16384xf32, #tpu.memory_space<vmem>>)
        tpu.yield
      }) : () -> ()
      "tpu.region"() ({
        %run_scoped3A = tpu.sem_alloc : memref<!tpu.dma_semaphore, #tpu.memory_space<semaphore_mem>>
        %dma_start3A = arith.constant 0 : i32
        %dma_start3A_108 = tpu.memref_slice %arg8[%dma_start3A] : memref<128xf32, #tpu.memory_space<vmem>> -> memref<128xf32, #tpu.memory_space<vmem>>
        %dma_start3A_109 = tpu.memref_slice %arg3[%add3A_38] : memref<100000xf32, #tpu.memory_space<hbm>> -> memref<128xf32, #tpu.memory_space<hbm>>
        %dma_start3A_110 = arith.constant 0 : i32
        %dma_start3A_111 = tpu.memref_slice %arg8[%dma_start3A_110] : memref<128xf32, #tpu.memory_space<vmem>> -> memref<128xf32, #tpu.memory_space<vmem>>
        %dma_start3A_112 = tpu.memref_slice %arg3[%add3A_38] : memref<100000xf32, #tpu.memory_space<hbm>> -> memref<128xf32, #tpu.memory_space<hbm>>
        tpu.enqueue_dma source(%dma_start3A_112 : memref<128xf32, #tpu.memory_space<hbm>>) target(%dma_start3A_111 : memref<128xf32, #tpu.memory_space<vmem>>) target_semaphore(%run_scoped3A : memref<!tpu.dma_semaphore, #tpu.memory_space<semaphore_mem>>)
        %dma_wait3A = arith.constant 0 : i32
        %dma_wait3A_113 = tpu.memref_slice %arg8[%dma_wait3A] : memref<128xf32, #tpu.memory_space<vmem>> -> memref<128xf32, #tpu.memory_space<vmem>>
        %dma_wait3A_114 = tpu.memref_slice %arg3[%add3A_38] : memref<100000xf32, #tpu.memory_space<hbm>> -> memref<128xf32, #tpu.memory_space<hbm>>
        %dma_wait3A_115 = arith.constant 0 : i32
        %dma_wait3A_116 = tpu.memref_slice %arg8[%dma_wait3A_115] : memref<128xf32, #tpu.memory_space<vmem>> -> memref<128xf32, #tpu.memory_space<vmem>>
        %dma_wait3A_117 = tpu.memref_slice %arg3[%add3A_38] : memref<100000xf32, #tpu.memory_space<hbm>> -> memref<128xf32, #tpu.memory_space<hbm>>
        tpu.wait_dma2 semaphore(%run_scoped3A : memref<!tpu.dma_semaphore, #tpu.memory_space<semaphore_mem>>) src(%dma_wait3A_117 : memref<128xf32, #tpu.memory_space<hbm>>) dst(%dma_wait3A_116 : memref<128xf32, #tpu.memory_space<vmem>>)
        tpu.yield
      }) : () -> ()
      "tpu.region"() ({
        %run_scoped3A = tpu.sem_alloc : memref<!tpu.dma_semaphore, #tpu.memory_space<semaphore_mem>>
        %dma_start3A = arith.constant 0 : i32
        %dma_start3A_108 = tpu.memref_slice %arg9[%dma_start3A] : memref<144xf32, #tpu.memory_space<vmem>> -> memref<128xf32, #tpu.memory_space<vmem>>
        %dma_start3A_109 = tpu.memref_slice %arg4[%add3A_38] : memref<100000xf32, #tpu.memory_space<hbm>> -> memref<128xf32, #tpu.memory_space<hbm>>
        %dma_start3A_110 = arith.constant 0 : i32
        %dma_start3A_111 = tpu.memref_slice %arg9[%dma_start3A_110] : memref<144xf32, #tpu.memory_space<vmem>> -> memref<128xf32, #tpu.memory_space<vmem>>
        %dma_start3A_112 = tpu.memref_slice %arg4[%add3A_38] : memref<100000xf32, #tpu.memory_space<hbm>> -> memref<128xf32, #tpu.memory_space<hbm>>
        tpu.enqueue_dma source(%dma_start3A_112 : memref<128xf32, #tpu.memory_space<hbm>>) target(%dma_start3A_111 : memref<128xf32, #tpu.memory_space<vmem>>) target_semaphore(%run_scoped3A : memref<!tpu.dma_semaphore, #tpu.memory_space<semaphore_mem>>)
        %dma_wait3A = arith.constant 0 : i32
        %dma_wait3A_113 = tpu.memref_slice %arg9[%dma_wait3A] : memref<144xf32, #tpu.memory_space<vmem>> -> memref<128xf32, #tpu.memory_space<vmem>>
        %dma_wait3A_114 = tpu.memref_slice %arg4[%add3A_38] : memref<100000xf32, #tpu.memory_space<hbm>> -> memref<128xf32, #tpu.memory_space<hbm>>
        %dma_wait3A_115 = arith.constant 0 : i32
        %dma_wait3A_116 = tpu.memref_slice %arg9[%dma_wait3A_115] : memref<144xf32, #tpu.memory_space<vmem>> -> memref<128xf32, #tpu.memory_space<vmem>>
        %dma_wait3A_117 = tpu.memref_slice %arg4[%add3A_38] : memref<100000xf32, #tpu.memory_space<hbm>> -> memref<128xf32, #tpu.memory_space<hbm>>
        tpu.wait_dma2 semaphore(%run_scoped3A : memref<!tpu.dma_semaphore, #tpu.memory_space<semaphore_mem>>) src(%dma_wait3A_117 : memref<128xf32, #tpu.memory_space<hbm>>) dst(%dma_wait3A_116 : memref<128xf32, #tpu.memory_space<vmem>>)
        tpu.yield
      }) : () -> ()
      %get3A = arith.constant 0 : index
      %get3A_41 = tpu.vector_load %arg8[%get3A] {strides = array<i32>} : memref<128xf32, #tpu.memory_space<vmem>>, vector<16xf32>,
      %get3A_42 = vector.shape_cast %get3A_41 : vector<16xf32> to vector<16xf32>
      %exp3A = math.exp %get3A_42 : vector<16xf32>
      %swap3A = arith.constant 0 : index
      %swap3A_43 = tpu.vector_load %arg10[%swap3A] {strides = array<i32>} : memref<144xf32, #tpu.memory_space<vmem>>, vector<16xf32>,
      %swap3A_44 = vector.shape_cast %swap3A_43 : vector<16xf32> to vector<16xf32>
      %swap3A_45 = vector.shape_cast %exp3A : vector<16xf32> to vector<16xf32>
      tpu.vector_store %arg10[%swap3A], %swap3A_45 {strides = array<i32>} : memref<144xf32, #tpu.memory_space<vmem>>, vector<16xf32>,
      %get3A_46 = arith.constant 16 : index
      %get3A_47 = tpu.vector_load %arg8[%get3A_46] {strides = array<i32>} : memref<128xf32, #tpu.memory_space<vmem>>, vector<16xf32>,
      %get3A_48 = vector.shape_cast %get3A_47 : vector<16xf32> to vector<16xf32>
      %exp3A_49 = math.exp %get3A_48 : vector<16xf32>
      %swap3A_50 = arith.constant 16 : index
      %swap3A_51 = tpu.vector_load %arg10[%swap3A_50] {strides = array<i32>} : memref<144xf32, #tpu.memory_space<vmem>>, vector<16xf32>,
      %swap3A_52 = vector.shape_cast %swap3A_51 : vector<16xf32> to vector<16xf32>
      %swap3A_53 = vector.shape_cast %exp3A_49 : vector<16xf32> to vector<16xf32>
      tpu.vector_store %arg10[%swap3A_50], %swap3A_53 {strides = array<i32>} : memref<144xf32, #tpu.memory_space<vmem>>, vector<16xf32>,
      %get3A_54 = arith.constant 32 : index
      %get3A_55 = tpu.vector_load %arg8[%get3A_54] {strides = array<i32>} : memref<128xf32, #tpu.memory_space<vmem>>, vector<16xf32>,
      %get3A_56 = vector.shape_cast %get3A_55 : vector<16xf32> to vector<16xf32>
      %exp3A_57 = math.exp %get3A_56 : vector<16xf32>
      %swap3A_58 = arith.constant 32 : index
      %swap3A_59 = tpu.vector_load %arg10[%swap3A_58] {strides = array<i32>} : memref<144xf32, #tpu.memory_space<vmem>>, vector<16xf32>,
      %swap3A_60 = vector.shape_cast %swap3A_59 : vector<16xf32> to vector<16xf32>
      %swap3A_61 = vector.shape_cast %exp3A_57 : vector<16xf32> to vector<16xf32>
      tpu.vector_store %arg10[%swap3A_58], %swap3A_61 {strides = array<i32>} : memref<144xf32, #tpu.memory_space<vmem>>, vector<16xf32>,
      %get3A_62 = arith.constant 48 : index
      %get3A_63 = tpu.vector_load %arg8[%get3A_62] {strides = array<i32>} : memref<128xf32, #tpu.memory_space<vmem>>, vector<16xf32>,
      %get3A_64 = vector.shape_cast %get3A_63 : vector<16xf32> to vector<16xf32>
      %exp3A_65 = math.exp %get3A_64 : vector<16xf32>
      %swap3A_66 = arith.constant 48 : index
      %swap3A_67 = tpu.vector_load %arg10[%swap3A_66] {strides = array<i32>} : memref<144xf32, #tpu.memory_space<vmem>>, vector<16xf32>,
      %swap3A_68 = vector.shape_cast %swap3A_67 : vector<16xf32> to vector<16xf32>
      %swap3A_69 = vector.shape_cast %exp3A_65 : vector<16xf32> to vector<16xf32>
      tpu.vector_store %arg10[%swap3A_66], %swap3A_69 {strides = array<i32>} : memref<144xf32, #tpu.memory_space<vmem>>, vector<16xf32>,
      %get3A_70 = arith.constant 64 : index
      %get3A_71 = tpu.vector_load %arg8[%get3A_70] {strides = array<i32>} : memref<128xf32, #tpu.memory_space<vmem>>, vector<16xf32>,
      %get3A_72 = vector.shape_cast %get3A_71 : vector<16xf32> to vector<16xf32>
      %exp3A_73 = math.exp %get3A_72 : vector<16xf32>
      %swap3A_74 = arith.constant 64 : index
      %swap3A_75 = tpu.vector_load %arg10[%swap3A_74] {strides = array<i32>} : memref<144xf32, #tpu.memory_space<vmem>>, vector<16xf32>,
      %swap3A_76 = vector.shape_cast %swap3A_75 : vector<16xf32> to vector<16xf32>
      %swap3A_77 = vector.shape_cast %exp3A_73 : vector<16xf32> to vector<16xf32>
      tpu.vector_store %arg10[%swap3A_74], %swap3A_77 {strides = array<i32>} : memref<144xf32, #tpu.memory_space<vmem>>, vector<16xf32>,
      %get3A_78 = arith.constant 80 : index
      %get3A_79 = tpu.vector_load %arg8[%get3A_78] {strides = array<i32>} : memref<128xf32, #tpu.memory_space<vmem>>, vector<16xf32>,
      %get3A_80 = vector.shape_cast %get3A_79 : vector<16xf32> to vector<16xf32>
      %exp3A_81 = math.exp %get3A_80 : vector<16xf32>
      %swap3A_82 = arith.constant 80 : index
      %swap3A_83 = tpu.vector_load %arg10[%swap3A_82] {strides = array<i32>} : memref<144xf32, #tpu.memory_space<vmem>>, vector<16xf32>,
      %swap3A_84 = vector.shape_cast %swap3A_83 : vector<16xf32> to vector<16xf32>
      %swap3A_85 = vector.shape_cast %exp3A_81 : vector<16xf32> to vector<16xf32>
      tpu.vector_store %arg10[%swap3A_82], %swap3A_85 {strides = array<i32>} : memref<144xf32, #tpu.memory_space<vmem>>, vector<16xf32>,
      %get3A_86 = arith.constant 96 : index
      %get3A_87 = tpu.vector_load %arg8[%get3A_86] {strides = array<i32>} : memref<128xf32, #tpu.memory_space<vmem>>, vector<16xf32>,
      %get3A_88 = vector.shape_cast %get3A_87 : vector<16xf32> to vector<16xf32>
      %exp3A_89 = math.exp %get3A_88 : vector<16xf32>
      %swap3A_90 = arith.constant 96 : index
      %swap3A_91 = tpu.vector_load %arg10[%swap3A_90] {strides = array<i32>} : memref<144xf32, #tpu.memory_space<vmem>>, vector<16xf32>,
      %swap3A_92 = vector.shape_cast %swap3A_91 : vector<16xf32> to vector<16xf32>
      %swap3A_93 = vector.shape_cast %exp3A_89 : vector<16xf32> to vector<16xf32>
      tpu.vector_store %arg10[%swap3A_90], %swap3A_93 {strides = array<i32>} : memref<144xf32, #tpu.memory_space<vmem>>, vector<16xf32>,
      %get3A_94 = arith.constant 112 : index
      %get3A_95 = tpu.vector_load %arg8[%get3A_94] {strides = array<i32>} : memref<128xf32, #tpu.memory_space<vmem>>, vector<16xf32>,
      %get3A_96 = vector.shape_cast %get3A_95 : vector<16xf32> to vector<16xf32>
      %exp3A_97 = math.exp %get3A_96 : vector<16xf32>
      %swap3A_98 = arith.constant 112 : index
      %swap3A_99 = tpu.vector_load %arg10[%swap3A_98] {strides = array<i32>} : memref<144xf32, #tpu.memory_space<vmem>>, vector<16xf32>,
      %swap3A_100 = vector.shape_cast %swap3A_99 : vector<16xf32> to vector<16xf32>
      %swap3A_101 = vector.shape_cast %exp3A_97 : vector<16xf32> to vector<16xf32>
      tpu.vector_store %arg10[%swap3A_98], %swap3A_101 {strides = array<i32>} : memref<144xf32, #tpu.memory_space<vmem>>, vector<16xf32>,
      %scan3A_102 = arith.constant 0 : i32
      %scan3A_103 = arith.constant 0 : i32
      %scan3A_104 = arith.constant 128 : i32
      %scan3A_105 = arith.addi %scan3A_103, %scan3A_104 : i32
      %scan3A_106 = arith.constant 1 : i32
      scf.for %scan3A_108 = %scan3A_103 to %scan3A_105 step %scan3A_106  : i32 {
        %get3A_109 = arith.index_cast %scan3A_108 : i32 to index
        %get3A_110 = tpu.vector_load %arg9[%get3A_109] {strides = array<i32>} : memref<144xf32, #tpu.memory_space<vmem>>, vector<16xf32>,
        %get3A_111 = vector.shape_cast %get3A_110 : vector<16xf32> to vector<16xf32>
        %slice3A = vector.extract_strided_slice %get3A_111 {offsets = [0], sizes = [1], strides = [1]} : vector<16xf32> to vector<1xf32>
        %squeeze3A = vector.extract %slice3A[0] : f32 from vector<1xf32>
        %convert_element_type3A_112 = arith.fptosi %squeeze3A : f32 to i32
        %get3A_113 = arith.index_cast %scan3A_108 : i32 to index
        %get3A_114 = tpu.vector_load %arg10[%get3A_113] {strides = array<i32>} : memref<144xf32, #tpu.memory_space<vmem>>, vector<16xf32>,
        %get3A_115 = vector.shape_cast %get3A_114 : vector<16xf32> to vector<16xf32>
        %slice3A_116 = vector.extract_strided_slice %get3A_115 {offsets = [0], sizes = [1], strides = [1]} : vector<16xf32> to vector<1xf32>
        %squeeze3A_117 = vector.extract %slice3A_116[0] : f32 from vector<1xf32>
        %add3A_118 = vector.broadcast %squeeze3A_117 : f32 to vector<16xf32>
        %add3A_119 = arith.addf %broadcast_in_dim3A_1, %add3A_118 : vector<16xf32>
        %mul3A_120 = arith.constant 128 : i32
        %mul3A_121 = arith.muli %scan3A_108, %mul3A_120 : i32
        %mul3A_122 = arith.constant 144 : i32
        %mul3A_123 = arith.muli %convert_element_type3A_112, %mul3A_122 : i32
        %add3A_124 = arith.constant 0 : i32
        %add3A_125 = arith.addi %mul3A_121, %add3A_124 : i32
        %get3A_126 = arith.index_cast %add3A_125 : i32 to index
        %get3A_127 = tpu.vector_load %arg7[%get3A_126] {strides = array<i32>} : memref<16384xf32, #tpu.memory_space<vmem>>, vector<16xf32>,
        %get3A_128 = vector.shape_cast %get3A_127 : vector<16xf32> to vector<16xf32>
        %add3A_129 = arith.constant 0 : i32
        %add3A_130 = arith.addi %mul3A_123, %add3A_129 : i32
        %get3A_131 = arith.index_cast %add3A_130 : i32 to index
        %get3A_132 = tpu.vector_load %arg6[%get3A_131] {strides = array<i32>} : memref<36864xf32, #tpu.memory_space<vmem>>, vector<16xf32>,
        %get3A_133 = vector.shape_cast %get3A_132 : vector<16xf32> to vector<16xf32>
        %mul3A_134 = arith.mulf %get3A_128, %add3A_119 : vector<16xf32>
        %add3A_135 = arith.addf %get3A_133, %mul3A_134 : vector<16xf32>
        %swap3A_136 = arith.index_cast %add3A_130 : i32 to index
        %swap3A_137 = tpu.vector_load %arg6[%swap3A_136] {strides = array<i32>} : memref<36864xf32, #tpu.memory_space<vmem>>, vector<16xf32>,
        %swap3A_138 = vector.shape_cast %swap3A_137 : vector<16xf32> to vector<16xf32>
        %swap3A_139 = vector.shape_cast %add3A_135 : vector<16xf32> to vector<16xf32>
        tpu.vector_store %arg6[%swap3A_136], %swap3A_139 {strides = array<i32>} : memref<36864xf32, #tpu.memory_space<vmem>>, vector<16xf32>,
        %add3A_140 = arith.constant 16 : i32
        %add3A_141 = arith.addi %mul3A_121, %add3A_140 : i32
        %get3A_142 = arith.index_cast %add3A_141 : i32 to index
        %get3A_143 = tpu.vector_load %arg7[%get3A_142] {strides = array<i32>} : memref<16384xf32, #tpu.memory_space<vmem>>, vector<16xf32>,
        %get3A_144 = vector.shape_cast %get3A_143 : vector<16xf32> to vector<16xf32>
        %add3A_145 = arith.constant 16 : i32
        %add3A_146 = arith.addi %mul3A_123, %add3A_145 : i32
        %get3A_147 = arith.index_cast %add3A_146 : i32 to index
        %get3A_148 = tpu.vector_load %arg6[%get3A_147] {strides = array<i32>} : memref<36864xf32, #tpu.memory_space<vmem>>, vector<16xf32>,
        %get3A_149 = vector.shape_cast %get3A_148 : vector<16xf32> to vector<16xf32>
        %mul3A_150 = arith.mulf %get3A_144, %add3A_119 : vector<16xf32>
        %add3A_151 = arith.addf %get3A_149, %mul3A_150 : vector<16xf32>
        %swap3A_152 = arith.index_cast %add3A_146 : i32 to index
        %swap3A_153 = tpu.vector_load %arg6[%swap3A_152] {strides = array<i32>} : memref<36864xf32, #tpu.memory_space<vmem>>, vector<16xf32>,
        %swap3A_154 = vector.shape_cast %swap3A_153 : vector<16xf32> to vector<16xf32>
        %swap3A_155 = vector.shape_cast %add3A_151 : vector<16xf32> to vector<16xf32>
        tpu.vector_store %arg6[%swap3A_152], %swap3A_155 {strides = array<i32>} : memref<36864xf32, #tpu.memory_space<vmem>>, vector<16xf32>,
        %add3A_156 = arith.constant 32 : i32
        %add3A_157 = arith.addi %mul3A_121, %add3A_156 : i32
        %get3A_158 = arith.index_cast %add3A_157 : i32 to index
        %get3A_159 = tpu.vector_load %arg7[%get3A_158] {strides = array<i32>} : memref<16384xf32, #tpu.memory_space<vmem>>, vector<16xf32>,
        %get3A_160 = vector.shape_cast %get3A_159 : vector<16xf32> to vector<16xf32>
        %add3A_161 = arith.constant 32 : i32
        %add3A_162 = arith.addi %mul3A_123, %add3A_161 : i32
        %get3A_163 = arith.index_cast %add3A_162 : i32 to index
        %get3A_164 = tpu.vector_load %arg6[%get3A_163] {strides = array<i32>} : memref<36864xf32, #tpu.memory_space<vmem>>, vector<16xf32>,
        %get3A_165 = vector.shape_cast %get3A_164 : vector<16xf32> to vector<16xf32>
        %mul3A_166 = arith.mulf %get3A_160, %add3A_119 : vector<16xf32>
        %add3A_167 = arith.addf %get3A_165, %mul3A_166 : vector<16xf32>
        %swap3A_168 = arith.index_cast %add3A_162 : i32 to index
        %swap3A_169 = tpu.vector_load %arg6[%swap3A_168] {strides = array<i32>} : memref<36864xf32, #tpu.memory_space<vmem>>, vector<16xf32>,
        %swap3A_170 = vector.shape_cast %swap3A_169 : vector<16xf32> to vector<16xf32>
        %swap3A_171 = vector.shape_cast %add3A_167 : vector<16xf32> to vector<16xf32>
        tpu.vector_store %arg6[%swap3A_168], %swap3A_171 {strides = array<i32>} : memref<36864xf32, #tpu.memory_space<vmem>>, vector<16xf32>,
        %add3A_172 = arith.constant 48 : i32
        %add3A_173 = arith.addi %mul3A_121, %add3A_172 : i32
        %get3A_174 = arith.index_cast %add3A_173 : i32 to index
        %get3A_175 = tpu.vector_load %arg7[%get3A_174] {strides = array<i32>} : memref<16384xf32, #tpu.memory_space<vmem>>, vector<16xf32>,
        %get3A_176 = vector.shape_cast %get3A_175 : vector<16xf32> to vector<16xf32>
        %add3A_177 = arith.constant 48 : i32
        %add3A_178 = arith.addi %mul3A_123, %add3A_177 : i32
        %get3A_179 = arith.index_cast %add3A_178 : i32 to index
        %get3A_180 = tpu.vector_load %arg6[%get3A_179] {strides = array<i32>} : memref<36864xf32, #tpu.memory_space<vmem>>, vector<16xf32>,
        %get3A_181 = vector.shape_cast %get3A_180 : vector<16xf32> to vector<16xf32>
        %mul3A_182 = arith.mulf %get3A_176, %add3A_119 : vector<16xf32>
        %add3A_183 = arith.addf %get3A_181, %mul3A_182 : vector<16xf32>
        %swap3A_184 = arith.index_cast %add3A_178 : i32 to index
        %swap3A_185 = tpu.vector_load %arg6[%swap3A_184] {strides = array<i32>} : memref<36864xf32, #tpu.memory_space<vmem>>, vector<16xf32>,
        %swap3A_186 = vector.shape_cast %swap3A_185 : vector<16xf32> to vector<16xf32>
        %swap3A_187 = vector.shape_cast %add3A_183 : vector<16xf32> to vector<16xf32>
        tpu.vector_store %arg6[%swap3A_184], %swap3A_187 {strides = array<i32>} : memref<36864xf32, #tpu.memory_space<vmem>>, vector<16xf32>,
        %add3A_188 = arith.constant 64 : i32
        %add3A_189 = arith.addi %mul3A_121, %add3A_188 : i32
        %get3A_190 = arith.index_cast %add3A_189 : i32 to index
        %get3A_191 = tpu.vector_load %arg7[%get3A_190] {strides = array<i32>} : memref<16384xf32, #tpu.memory_space<vmem>>, vector<16xf32>,
        %get3A_192 = vector.shape_cast %get3A_191 : vector<16xf32> to vector<16xf32>
        %add3A_193 = arith.constant 64 : i32
        %add3A_194 = arith.addi %mul3A_123, %add3A_193 : i32
        %get3A_195 = arith.index_cast %add3A_194 : i32 to index
        %get3A_196 = tpu.vector_load %arg6[%get3A_195] {strides = array<i32>} : memref<36864xf32, #tpu.memory_space<vmem>>, vector<16xf32>,
        %get3A_197 = vector.shape_cast %get3A_196 : vector<16xf32> to vector<16xf32>
        %mul3A_198 = arith.mulf %get3A_192, %add3A_119 : vector<16xf32>
        %add3A_199 = arith.addf %get3A_197, %mul3A_198 : vector<16xf32>
        %swap3A_200 = arith.index_cast %add3A_194 : i32 to index
        %swap3A_201 = tpu.vector_load %arg6[%swap3A_200] {strides = array<i32>} : memref<36864xf32, #tpu.memory_space<vmem>>, vector<16xf32>,
        %swap3A_202 = vector.shape_cast %swap3A_201 : vector<16xf32> to vector<16xf32>
        %swap3A_203 = vector.shape_cast %add3A_199 : vector<16xf32> to vector<16xf32>
        tpu.vector_store %arg6[%swap3A_200], %swap3A_203 {strides = array<i32>} : memref<36864xf32, #tpu.memory_space<vmem>>, vector<16xf32>,
        %add3A_204 = arith.constant 80 : i32
        %add3A_205 = arith.addi %mul3A_121, %add3A_204 : i32
        %get3A_206 = arith.index_cast %add3A_205 : i32 to index
        %get3A_207 = tpu.vector_load %arg7[%get3A_206] {strides = array<i32>} : memref<16384xf32, #tpu.memory_space<vmem>>, vector<16xf32>,
        %get3A_208 = vector.shape_cast %get3A_207 : vector<16xf32> to vector<16xf32>
        %add3A_209 = arith.constant 80 : i32
        %add3A_210 = arith.addi %mul3A_123, %add3A_209 : i32
        %get3A_211 = arith.index_cast %add3A_210 : i32 to index
        %get3A_212 = tpu.vector_load %arg6[%get3A_211] {strides = array<i32>} : memref<36864xf32, #tpu.memory_space<vmem>>, vector<16xf32>,
        %get3A_213 = vector.shape_cast %get3A_212 : vector<16xf32> to vector<16xf32>
        %mul3A_214 = arith.mulf %get3A_208, %add3A_119 : vector<16xf32>
        %add3A_215 = arith.addf %get3A_213, %mul3A_214 : vector<16xf32>
        %swap3A_216 = arith.index_cast %add3A_210 : i32 to index
        %swap3A_217 = tpu.vector_load %arg6[%swap3A_216] {strides = array<i32>} : memref<36864xf32, #tpu.memory_space<vmem>>, vector<16xf32>,
        %swap3A_218 = vector.shape_cast %swap3A_217 : vector<16xf32> to vector<16xf32>
        %swap3A_219 = vector.shape_cast %add3A_215 : vector<16xf32> to vector<16xf32>
        tpu.vector_store %arg6[%swap3A_216], %swap3A_219 {strides = array<i32>} : memref<36864xf32, #tpu.memory_space<vmem>>, vector<16xf32>,
        %add3A_220 = arith.constant 96 : i32
        %add3A_221 = arith.addi %mul3A_121, %add3A_220 : i32
        %get3A_222 = arith.index_cast %add3A_221 : i32 to index
        %get3A_223 = tpu.vector_load %arg7[%get3A_222] {strides = array<i32>} : memref<16384xf32, #tpu.memory_space<vmem>>, vector<16xf32>,
        %get3A_224 = vector.shape_cast %get3A_223 : vector<16xf32> to vector<16xf32>
        %add3A_225 = arith.constant 96 : i32
        %add3A_226 = arith.addi %mul3A_123, %add3A_225 : i32
        %get3A_227 = arith.index_cast %add3A_226 : i32 to index
        %get3A_228 = tpu.vector_load %arg6[%get3A_227] {strides = array<i32>} : memref<36864xf32, #tpu.memory_space<vmem>>, vector<16xf32>,
        %get3A_229 = vector.shape_cast %get3A_228 : vector<16xf32> to vector<16xf32>
        %mul3A_230 = arith.mulf %get3A_224, %add3A_119 : vector<16xf32>
        %add3A_231 = arith.addf %get3A_229, %mul3A_230 : vector<16xf32>
        %swap3A_232 = arith.index_cast %add3A_226 : i32 to index
        %swap3A_233 = tpu.vector_load %arg6[%swap3A_232] {strides = array<i32>} : memref<36864xf32, #tpu.memory_space<vmem>>, vector<16xf32>,
        %swap3A_234 = vector.shape_cast %swap3A_233 : vector<16xf32> to vector<16xf32>
        %swap3A_235 = vector.shape_cast %add3A_231 : vector<16xf32> to vector<16xf32>
        tpu.vector_store %arg6[%swap3A_232], %swap3A_235 {strides = array<i32>} : memref<36864xf32, #tpu.memory_space<vmem>>, vector<16xf32>,
        %add3A_236 = arith.constant 112 : i32
        %add3A_237 = arith.addi %mul3A_121, %add3A_236 : i32
        %get3A_238 = arith.index_cast %add3A_237 : i32 to index
        %get3A_239 = tpu.vector_load %arg7[%get3A_238] {strides = array<i32>} : memref<16384xf32, #tpu.memory_space<vmem>>, vector<16xf32>,
        %get3A_240 = vector.shape_cast %get3A_239 : vector<16xf32> to vector<16xf32>
        %add3A_241 = arith.constant 112 : i32
        %add3A_242 = arith.addi %mul3A_123, %add3A_241 : i32
        %get3A_243 = arith.index_cast %add3A_242 : i32 to index
        %get3A_244 = tpu.vector_load %arg6[%get3A_243] {strides = array<i32>} : memref<36864xf32, #tpu.memory_space<vmem>>, vector<16xf32>,
        %get3A_245 = vector.shape_cast %get3A_244 : vector<16xf32> to vector<16xf32>
        %mul3A_246 = arith.mulf %get3A_240, %add3A_119 : vector<16xf32>
        %add3A_247 = arith.addf %get3A_245, %mul3A_246 : vector<16xf32>
        %swap3A_248 = arith.index_cast %add3A_242 : i32 to index
        %swap3A_249 = tpu.vector_load %arg6[%swap3A_248] {strides = array<i32>} : memref<36864xf32, #tpu.memory_space<vmem>>, vector<16xf32>,
        %swap3A_250 = vector.shape_cast %swap3A_249 : vector<16xf32> to vector<16xf32>
        %swap3A_251 = vector.shape_cast %add3A_247 : vector<16xf32> to vector<16xf32>
        tpu.vector_store %arg6[%swap3A_248], %swap3A_251 {strides = array<i32>} : memref<36864xf32, #tpu.memory_space<vmem>>, vector<16xf32>,
        %add3A_252 = arith.constant 128 : i32
        %add3A_253 = arith.addi %mul3A_123, %add3A_252 : i32
        %get3A_254 = arith.index_cast %add3A_253 : i32 to index
        %get3A_255 = tpu.vector_load %arg6[%get3A_254] {strides = array<i32>} : memref<36864xf32, #tpu.memory_space<vmem>>, vector<16xf32>,
        %get3A_256 = vector.shape_cast %get3A_255 : vector<16xf32> to vector<16xf32>
        %add3A_257 = arith.addf %get3A_256, %add3A_119 : vector<16xf32>
        %swap3A_258 = arith.index_cast %add3A_253 : i32 to index
        %swap3A_259 = tpu.vector_load %arg6[%swap3A_258] {strides = array<i32>} : memref<36864xf32, #tpu.memory_space<vmem>>, vector<16xf32>,
        %swap3A_260 = vector.shape_cast %swap3A_259 : vector<16xf32> to vector<16xf32>
        %swap3A_261 = vector.shape_cast %add3A_257 : vector<16xf32> to vector<16xf32>
        tpu.vector_store %arg6[%swap3A_258], %swap3A_261 {strides = array<i32>} : memref<36864xf32, #tpu.memory_space<vmem>>, vector<16xf32>,
      }
      %scan3A_107 = arith.constant 128 : i32
    }
    %while3A_30 = arith.constant 1 : i32
    scf.for %while3A_35 = %while3A_28 to %while3A_24 step %while3A_30  : i32 {
      %mul3A_36 = arith.constant 128 : i32
      %mul3A_37 = arith.muli %while3A_35, %mul3A_36 : i32
      %add3A_38 = arith.addi %select_n3A, %mul3A_37 : i32
      %mul3A_39 = arith.constant 128 : i32
      %mul3A_40 = arith.muli %add3A_38, %mul3A_39 : i32
      "tpu.region"() ({
        %run_scoped3A = tpu.sem_alloc : memref<!tpu.dma_semaphore, #tpu.memory_space<semaphore_mem>>
        %dma_start3A = arith.constant 0 : i32
        %dma_start3A_108 = tpu.memref_slice %arg7[%dma_start3A] : memref<16384xf32, #tpu.memory_space<vmem>> -> memref<16384xf32, #tpu.memory_space<vmem>>
        %dma_start3A_109 = tpu.memref_slice %arg2[%mul3A_40] : memref<12800000xf32, #tpu.memory_space<hbm>> -> memref<16384xf32, #tpu.memory_space<hbm>>
        %dma_start3A_110 = arith.constant 0 : i32
        %dma_start3A_111 = tpu.memref_slice %arg7[%dma_start3A_110] : memref<16384xf32, #tpu.memory_space<vmem>> -> memref<16384xf32, #tpu.memory_space<vmem>>
        %dma_start3A_112 = tpu.memref_slice %arg2[%mul3A_40] : memref<12800000xf32, #tpu.memory_space<hbm>> -> memref<16384xf32, #tpu.memory_space<hbm>>
        tpu.enqueue_dma source(%dma_start3A_112 : memref<16384xf32, #tpu.memory_space<hbm>>) target(%dma_start3A_111 : memref<16384xf32, #tpu.memory_space<vmem>>) target_semaphore(%run_scoped3A : memref<!tpu.dma_semaphore, #tpu.memory_space<semaphore_mem>>)
        %dma_wait3A = arith.constant 0 : i32
        %dma_wait3A_113 = tpu.memref_slice %arg7[%dma_wait3A] : memref<16384xf32, #tpu.memory_space<vmem>> -> memref<16384xf32, #tpu.memory_space<vmem>>
        %dma_wait3A_114 = tpu.memref_slice %arg2[%mul3A_40] : memref<12800000xf32, #tpu.memory_space<hbm>> -> memref<16384xf32, #tpu.memory_space<hbm>>
        %dma_wait3A_115 = arith.constant 0 : i32
        %dma_wait3A_116 = tpu.memref_slice %arg7[%dma_wait3A_115] : memref<16384xf32, #tpu.memory_space<vmem>> -> memref<16384xf32, #tpu.memory_space<vmem>>
        %dma_wait3A_117 = tpu.memref_slice %arg2[%mul3A_40] : memref<12800000xf32, #tpu.memory_space<hbm>> -> memref<16384xf32, #tpu.memory_space<hbm>>
        tpu.wait_dma2 semaphore(%run_scoped3A : memref<!tpu.dma_semaphore, #tpu.memory_space<semaphore_mem>>) src(%dma_wait3A_117 : memref<16384xf32, #tpu.memory_space<hbm>>) dst(%dma_wait3A_116 : memref<16384xf32, #tpu.memory_space<vmem>>)
        tpu.yield
      }) : () -> ()
      "tpu.region"() ({
        %run_scoped3A = tpu.sem_alloc : memref<!tpu.dma_semaphore, #tpu.memory_space<semaphore_mem>>
        %dma_start3A = arith.constant 0 : i32
        %dma_start3A_108 = tpu.memref_slice %arg8[%dma_start3A] : memref<128xf32, #tpu.memory_space<vmem>> -> memref<128xf32, #tpu.memory_space<vmem>>
        %dma_start3A_109 = tpu.memref_slice %arg3[%add3A_38] : memref<100000xf32, #tpu.memory_space<hbm>> -> memref<128xf32, #tpu.memory_space<hbm>>
        %dma_start3A_110 = arith.constant 0 : i32
        %dma_start3A_111 = tpu.memref_slice %arg8[%dma_start3A_110] : memref<128xf32, #tpu.memory_space<vmem>> -> memref<128xf32, #tpu.memory_space<vmem>>
        %dma_start3A_112 = tpu.memref_slice %arg3[%add3A_38] : memref<100000xf32, #tpu.memory_space<hbm>> -> memref<128xf32, #tpu.memory_space<hbm>>
        tpu.enqueue_dma source(%dma_start3A_112 : memref<128xf32, #tpu.memory_space<hbm>>) target(%dma_start3A_111 : memref<128xf32, #tpu.memory_space<vmem>>) target_semaphore(%run_scoped3A : memref<!tpu.dma_semaphore, #tpu.memory_space<semaphore_mem>>)
        %dma_wait3A = arith.constant 0 : i32
        %dma_wait3A_113 = tpu.memref_slice %arg8[%dma_wait3A] : memref<128xf32, #tpu.memory_space<vmem>> -> memref<128xf32, #tpu.memory_space<vmem>>
        %dma_wait3A_114 = tpu.memref_slice %arg3[%add3A_38] : memref<100000xf32, #tpu.memory_space<hbm>> -> memref<128xf32, #tpu.memory_space<hbm>>
        %dma_wait3A_115 = arith.constant 0 : i32
        %dma_wait3A_116 = tpu.memref_slice %arg8[%dma_wait3A_115] : memref<128xf32, #tpu.memory_space<vmem>> -> memref<128xf32, #tpu.memory_space<vmem>>
        %dma_wait3A_117 = tpu.memref_slice %arg3[%add3A_38] : memref<100000xf32, #tpu.memory_space<hbm>> -> memref<128xf32, #tpu.memory_space<hbm>>
        tpu.wait_dma2 semaphore(%run_scoped3A : memref<!tpu.dma_semaphore, #tpu.memory_space<semaphore_mem>>) src(%dma_wait3A_117 : memref<128xf32, #tpu.memory_space<hbm>>) dst(%dma_wait3A_116 : memref<128xf32, #tpu.memory_space<vmem>>)
        tpu.yield
      }) : () -> ()
      "tpu.region"() ({
        %run_scoped3A = tpu.sem_alloc : memref<!tpu.dma_semaphore, #tpu.memory_space<semaphore_mem>>
        %dma_start3A = arith.constant 0 : i32
        %dma_start3A_108 = tpu.memref_slice %arg9[%dma_start3A] : memref<144xf32, #tpu.memory_space<vmem>> -> memref<128xf32, #tpu.memory_space<vmem>>
        %dma_start3A_109 = tpu.memref_slice %arg4[%add3A_38] : memref<100000xf32, #tpu.memory_space<hbm>> -> memref<128xf32, #tpu.memory_space<hbm>>
        %dma_start3A_110 = arith.constant 0 : i32
        %dma_start3A_111 = tpu.memref_slice %arg9[%dma_start3A_110] : memref<144xf32, #tpu.memory_space<vmem>> -> memref<128xf32, #tpu.memory_space<vmem>>
        %dma_start3A_112 = tpu.memref_slice %arg4[%add3A_38] : memref<100000xf32, #tpu.memory_space<hbm>> -> memref<128xf32, #tpu.memory_space<hbm>>
        tpu.enqueue_dma source(%dma_start3A_112 : memref<128xf32, #tpu.memory_space<hbm>>) target(%dma_start3A_111 : memref<128xf32, #tpu.memory_space<vmem>>) target_semaphore(%run_scoped3A : memref<!tpu.dma_semaphore, #tpu.memory_space<semaphore_mem>>)
        %dma_wait3A = arith.constant 0 : i32
        %dma_wait3A_113 = tpu.memref_slice %arg9[%dma_wait3A] : memref<144xf32, #tpu.memory_space<vmem>> -> memref<128xf32, #tpu.memory_space<vmem>>
        %dma_wait3A_114 = tpu.memref_slice %arg4[%add3A_38] : memref<100000xf32, #tpu.memory_space<hbm>> -> memref<128xf32, #tpu.memory_space<hbm>>
        %dma_wait3A_115 = arith.constant 0 : i32
        %dma_wait3A_116 = tpu.memref_slice %arg9[%dma_wait3A_115] : memref<144xf32, #tpu.memory_space<vmem>> -> memref<128xf32, #tpu.memory_space<vmem>>
        %dma_wait3A_117 = tpu.memref_slice %arg4[%add3A_38] : memref<100000xf32, #tpu.memory_space<hbm>> -> memref<128xf32, #tpu.memory_space<hbm>>
        tpu.wait_dma2 semaphore(%run_scoped3A : memref<!tpu.dma_semaphore, #tpu.memory_space<semaphore_mem>>) src(%dma_wait3A_117 : memref<128xf32, #tpu.memory_space<hbm>>) dst(%dma_wait3A_116 : memref<128xf32, #tpu.memory_space<vmem>>)
        tpu.yield
      }) : () -> ()
      %get3A = arith.constant 0 : index
      %get3A_41 = tpu.vector_load %arg8[%get3A] {strides = array<i32>} : memref<128xf32, #tpu.memory_space<vmem>>, vector<16xf32>,
      %get3A_42 = vector.shape_cast %get3A_41 : vector<16xf32> to vector<16xf32>
      %exp3A = math.exp %get3A_42 : vector<16xf32>
      %swap3A = arith.constant 0 : index
      %swap3A_43 = tpu.vector_load %arg10[%swap3A] {strides = array<i32>} : memref<144xf32, #tpu.memory_space<vmem>>, vector<16xf32>,
      %swap3A_44 = vector.shape_cast %swap3A_43 : vector<16xf32> to vector<16xf32>
      %swap3A_45 = vector.shape_cast %exp3A : vector<16xf32> to vector<16xf32>
      tpu.vector_store %arg10[%swap3A], %swap3A_45 {strides = array<i32>} : memref<144xf32, #tpu.memory_space<vmem>>, vector<16xf32>,
      %get3A_46 = arith.constant 16 : index
      %get3A_47 = tpu.vector_load %arg8[%get3A_46] {strides = array<i32>} : memref<128xf32, #tpu.memory_space<vmem>>, vector<16xf32>,
      %get3A_48 = vector.shape_cast %get3A_47 : vector<16xf32> to vector<16xf32>
      %exp3A_49 = math.exp %get3A_48 : vector<16xf32>
      %swap3A_50 = arith.constant 16 : index
      %swap3A_51 = tpu.vector_load %arg10[%swap3A_50] {strides = array<i32>} : memref<144xf32, #tpu.memory_space<vmem>>, vector<16xf32>,
      %swap3A_52 = vector.shape_cast %swap3A_51 : vector<16xf32> to vector<16xf32>
      %swap3A_53 = vector.shape_cast %exp3A_49 : vector<16xf32> to vector<16xf32>
      tpu.vector_store %arg10[%swap3A_50], %swap3A_53 {strides = array<i32>} : memref<144xf32, #tpu.memory_space<vmem>>, vector<16xf32>,
      %get3A_54 = arith.constant 32 : index
      %get3A_55 = tpu.vector_load %arg8[%get3A_54] {strides = array<i32>} : memref<128xf32, #tpu.memory_space<vmem>>, vector<16xf32>,
      %get3A_56 = vector.shape_cast %get3A_55 : vector<16xf32> to vector<16xf32>
      %exp3A_57 = math.exp %get3A_56 : vector<16xf32>
      %swap3A_58 = arith.constant 32 : index
      %swap3A_59 = tpu.vector_load %arg10[%swap3A_58] {strides = array<i32>} : memref<144xf32, #tpu.memory_space<vmem>>, vector<16xf32>,
      %swap3A_60 = vector.shape_cast %swap3A_59 : vector<16xf32> to vector<16xf32>
      %swap3A_61 = vector.shape_cast %exp3A_57 : vector<16xf32> to vector<16xf32>
      tpu.vector_store %arg10[%swap3A_58], %swap3A_61 {strides = array<i32>} : memref<144xf32, #tpu.memory_space<vmem>>, vector<16xf32>,
      %get3A_62 = arith.constant 48 : index
      %get3A_63 = tpu.vector_load %arg8[%get3A_62] {strides = array<i32>} : memref<128xf32, #tpu.memory_space<vmem>>, vector<16xf32>,
      %get3A_64 = vector.shape_cast %get3A_63 : vector<16xf32> to vector<16xf32>
      %exp3A_65 = math.exp %get3A_64 : vector<16xf32>
      %swap3A_66 = arith.constant 48 : index
      %swap3A_67 = tpu.vector_load %arg10[%swap3A_66] {strides = array<i32>} : memref<144xf32, #tpu.memory_space<vmem>>, vector<16xf32>,
      %swap3A_68 = vector.shape_cast %swap3A_67 : vector<16xf32> to vector<16xf32>
      %swap3A_69 = vector.shape_cast %exp3A_65 : vector<16xf32> to vector<16xf32>
      tpu.vector_store %arg10[%swap3A_66], %swap3A_69 {strides = array<i32>} : memref<144xf32, #tpu.memory_space<vmem>>, vector<16xf32>,
      %get3A_70 = arith.constant 64 : index
      %get3A_71 = tpu.vector_load %arg8[%get3A_70] {strides = array<i32>} : memref<128xf32, #tpu.memory_space<vmem>>, vector<16xf32>,
      %get3A_72 = vector.shape_cast %get3A_71 : vector<16xf32> to vector<16xf32>
      %exp3A_73 = math.exp %get3A_72 : vector<16xf32>
      %swap3A_74 = arith.constant 64 : index
      %swap3A_75 = tpu.vector_load %arg10[%swap3A_74] {strides = array<i32>} : memref<144xf32, #tpu.memory_space<vmem>>, vector<16xf32>,
      %swap3A_76 = vector.shape_cast %swap3A_75 : vector<16xf32> to vector<16xf32>
      %swap3A_77 = vector.shape_cast %exp3A_73 : vector<16xf32> to vector<16xf32>
      tpu.vector_store %arg10[%swap3A_74], %swap3A_77 {strides = array<i32>} : memref<144xf32, #tpu.memory_space<vmem>>, vector<16xf32>,
      %get3A_78 = arith.constant 80 : index
      %get3A_79 = tpu.vector_load %arg8[%get3A_78] {strides = array<i32>} : memref<128xf32, #tpu.memory_space<vmem>>, vector<16xf32>,
      %get3A_80 = vector.shape_cast %get3A_79 : vector<16xf32> to vector<16xf32>
      %exp3A_81 = math.exp %get3A_80 : vector<16xf32>
      %swap3A_82 = arith.constant 80 : index
      %swap3A_83 = tpu.vector_load %arg10[%swap3A_82] {strides = array<i32>} : memref<144xf32, #tpu.memory_space<vmem>>, vector<16xf32>,
      %swap3A_84 = vector.shape_cast %swap3A_83 : vector<16xf32> to vector<16xf32>
      %swap3A_85 = vector.shape_cast %exp3A_81 : vector<16xf32> to vector<16xf32>
      tpu.vector_store %arg10[%swap3A_82], %swap3A_85 {strides = array<i32>} : memref<144xf32, #tpu.memory_space<vmem>>, vector<16xf32>,
      %get3A_86 = arith.constant 96 : index
      %get3A_87 = tpu.vector_load %arg8[%get3A_86] {strides = array<i32>} : memref<128xf32, #tpu.memory_space<vmem>>, vector<16xf32>,
      %get3A_88 = vector.shape_cast %get3A_87 : vector<16xf32> to vector<16xf32>
      %exp3A_89 = math.exp %get3A_88 : vector<16xf32>
      %swap3A_90 = arith.constant 96 : index
      %swap3A_91 = tpu.vector_load %arg10[%swap3A_90] {strides = array<i32>} : memref<144xf32, #tpu.memory_space<vmem>>, vector<16xf32>,
      %swap3A_92 = vector.shape_cast %swap3A_91 : vector<16xf32> to vector<16xf32>
      %swap3A_93 = vector.shape_cast %exp3A_89 : vector<16xf32> to vector<16xf32>
      tpu.vector_store %arg10[%swap3A_90], %swap3A_93 {strides = array<i32>} : memref<144xf32, #tpu.memory_space<vmem>>, vector<16xf32>,
      %get3A_94 = arith.constant 112 : index
      %get3A_95 = tpu.vector_load %arg8[%get3A_94] {strides = array<i32>} : memref<128xf32, #tpu.memory_space<vmem>>, vector<16xf32>,
      %get3A_96 = vector.shape_cast %get3A_95 : vector<16xf32> to vector<16xf32>
      %exp3A_97 = math.exp %get3A_96 : vector<16xf32>
      %swap3A_98 = arith.constant 112 : index
      %swap3A_99 = tpu.vector_load %arg10[%swap3A_98] {strides = array<i32>} : memref<144xf32, #tpu.memory_space<vmem>>, vector<16xf32>,
      %swap3A_100 = vector.shape_cast %swap3A_99 : vector<16xf32> to vector<16xf32>
      %swap3A_101 = vector.shape_cast %exp3A_97 : vector<16xf32> to vector<16xf32>
      tpu.vector_store %arg10[%swap3A_98], %swap3A_101 {strides = array<i32>} : memref<144xf32, #tpu.memory_space<vmem>>, vector<16xf32>,
      %scan3A_102 = arith.constant 0 : i32
      %scan3A_103 = arith.constant 0 : i32
      %scan3A_104 = arith.constant 128 : i32
      %scan3A_105 = arith.addi %scan3A_103, %scan3A_104 : i32
      %scan3A_106 = arith.constant 1 : i32
      scf.for %scan3A_108 = %scan3A_103 to %scan3A_105 step %scan3A_106  : i32 {
        %get3A_109 = arith.index_cast %scan3A_108 : i32 to index
        %get3A_110 = tpu.vector_load %arg9[%get3A_109] {strides = array<i32>} : memref<144xf32, #tpu.memory_space<vmem>>, vector<16xf32>,
        %get3A_111 = vector.shape_cast %get3A_110 : vector<16xf32> to vector<16xf32>
        %slice3A = vector.extract_strided_slice %get3A_111 {offsets = [0], sizes = [1], strides = [1]} : vector<16xf32> to vector<1xf32>
        %squeeze3A = vector.extract %slice3A[0] : f32 from vector<1xf32>
        %convert_element_type3A_112 = arith.fptosi %squeeze3A : f32 to i32
        %get3A_113 = arith.index_cast %scan3A_108 : i32 to index
        %get3A_114 = tpu.vector_load %arg10[%get3A_113] {strides = array<i32>} : memref<144xf32, #tpu.memory_space<vmem>>, vector<16xf32>,
        %get3A_115 = vector.shape_cast %get3A_114 : vector<16xf32> to vector<16xf32>
        %slice3A_116 = vector.extract_strided_slice %get3A_115 {offsets = [0], sizes = [1], strides = [1]} : vector<16xf32> to vector<1xf32>
        %squeeze3A_117 = vector.extract %slice3A_116[0] : f32 from vector<1xf32>
        %add3A_118 = vector.broadcast %squeeze3A_117 : f32 to vector<16xf32>
        %add3A_119 = arith.addf %broadcast_in_dim3A_1, %add3A_118 : vector<16xf32>
        %mul3A_120 = arith.constant 128 : i32
        %mul3A_121 = arith.muli %scan3A_108, %mul3A_120 : i32
        %mul3A_122 = arith.constant 144 : i32
        %mul3A_123 = arith.muli %convert_element_type3A_112, %mul3A_122 : i32
        %add3A_124 = arith.constant 0 : i32
        %add3A_125 = arith.addi %mul3A_121, %add3A_124 : i32
        %get3A_126 = arith.index_cast %add3A_125 : i32 to index
        %get3A_127 = tpu.vector_load %arg7[%get3A_126] {strides = array<i32>} : memref<16384xf32, #tpu.memory_space<vmem>>, vector<16xf32>,
        %get3A_128 = vector.shape_cast %get3A_127 : vector<16xf32> to vector<16xf32>
        %add3A_129 = arith.constant 0 : i32
        %add3A_130 = arith.addi %mul3A_123, %add3A_129 : i32
        %get3A_131 = arith.index_cast %add3A_130 : i32 to index
        %get3A_132 = tpu.vector_load %arg6[%get3A_131] {strides = array<i32>} : memref<36864xf32, #tpu.memory_space<vmem>>, vector<16xf32>,
        %get3A_133 = vector.shape_cast %get3A_132 : vector<16xf32> to vector<16xf32>
        %mul3A_134 = arith.mulf %get3A_128, %add3A_119 : vector<16xf32>
        %add3A_135 = arith.addf %get3A_133, %mul3A_134 : vector<16xf32>
        %swap3A_136 = arith.index_cast %add3A_130 : i32 to index
        %swap3A_137 = tpu.vector_load %arg6[%swap3A_136] {strides = array<i32>} : memref<36864xf32, #tpu.memory_space<vmem>>, vector<16xf32>,
        %swap3A_138 = vector.shape_cast %swap3A_137 : vector<16xf32> to vector<16xf32>
        %swap3A_139 = vector.shape_cast %add3A_135 : vector<16xf32> to vector<16xf32>
        tpu.vector_store %arg6[%swap3A_136], %swap3A_139 {strides = array<i32>} : memref<36864xf32, #tpu.memory_space<vmem>>, vector<16xf32>,
        %add3A_140 = arith.constant 16 : i32
        %add3A_141 = arith.addi %mul3A_121, %add3A_140 : i32
        %get3A_142 = arith.index_cast %add3A_141 : i32 to index
        %get3A_143 = tpu.vector_load %arg7[%get3A_142] {strides = array<i32>} : memref<16384xf32, #tpu.memory_space<vmem>>, vector<16xf32>,
        %get3A_144 = vector.shape_cast %get3A_143 : vector<16xf32> to vector<16xf32>
        %add3A_145 = arith.constant 16 : i32
        %add3A_146 = arith.addi %mul3A_123, %add3A_145 : i32
        %get3A_147 = arith.index_cast %add3A_146 : i32 to index
        %get3A_148 = tpu.vector_load %arg6[%get3A_147] {strides = array<i32>} : memref<36864xf32, #tpu.memory_space<vmem>>, vector<16xf32>,
        %get3A_149 = vector.shape_cast %get3A_148 : vector<16xf32> to vector<16xf32>
        %mul3A_150 = arith.mulf %get3A_144, %add3A_119 : vector<16xf32>
        %add3A_151 = arith.addf %get3A_149, %mul3A_150 : vector<16xf32>
        %swap3A_152 = arith.index_cast %add3A_146 : i32 to index
        %swap3A_153 = tpu.vector_load %arg6[%swap3A_152] {strides = array<i32>} : memref<36864xf32, #tpu.memory_space<vmem>>, vector<16xf32>,
        %swap3A_154 = vector.shape_cast %swap3A_153 : vector<16xf32> to vector<16xf32>
        %swap3A_155 = vector.shape_cast %add3A_151 : vector<16xf32> to vector<16xf32>
        tpu.vector_store %arg6[%swap3A_152], %swap3A_155 {strides = array<i32>} : memref<36864xf32, #tpu.memory_space<vmem>>, vector<16xf32>,
        %add3A_156 = arith.constant 32 : i32
        %add3A_157 = arith.addi %mul3A_121, %add3A_156 : i32
        %get3A_158 = arith.index_cast %add3A_157 : i32 to index
        %get3A_159 = tpu.vector_load %arg7[%get3A_158] {strides = array<i32>} : memref<16384xf32, #tpu.memory_space<vmem>>, vector<16xf32>,
        %get3A_160 = vector.shape_cast %get3A_159 : vector<16xf32> to vector<16xf32>
        %add3A_161 = arith.constant 32 : i32
        %add3A_162 = arith.addi %mul3A_123, %add3A_161 : i32
        %get3A_163 = arith.index_cast %add3A_162 : i32 to index
        %get3A_164 = tpu.vector_load %arg6[%get3A_163] {strides = array<i32>} : memref<36864xf32, #tpu.memory_space<vmem>>, vector<16xf32>,
        %get3A_165 = vector.shape_cast %get3A_164 : vector<16xf32> to vector<16xf32>
        %mul3A_166 = arith.mulf %get3A_160, %add3A_119 : vector<16xf32>
        %add3A_167 = arith.addf %get3A_165, %mul3A_166 : vector<16xf32>
        %swap3A_168 = arith.index_cast %add3A_162 : i32 to index
        %swap3A_169 = tpu.vector_load %arg6[%swap3A_168] {strides = array<i32>} : memref<36864xf32, #tpu.memory_space<vmem>>, vector<16xf32>,
        %swap3A_170 = vector.shape_cast %swap3A_169 : vector<16xf32> to vector<16xf32>
        %swap3A_171 = vector.shape_cast %add3A_167 : vector<16xf32> to vector<16xf32>
        tpu.vector_store %arg6[%swap3A_168], %swap3A_171 {strides = array<i32>} : memref<36864xf32, #tpu.memory_space<vmem>>, vector<16xf32>,
        %add3A_172 = arith.constant 48 : i32
        %add3A_173 = arith.addi %mul3A_121, %add3A_172 : i32
        %get3A_174 = arith.index_cast %add3A_173 : i32 to index
        %get3A_175 = tpu.vector_load %arg7[%get3A_174] {strides = array<i32>} : memref<16384xf32, #tpu.memory_space<vmem>>, vector<16xf32>,
        %get3A_176 = vector.shape_cast %get3A_175 : vector<16xf32> to vector<16xf32>
        %add3A_177 = arith.constant 48 : i32
        %add3A_178 = arith.addi %mul3A_123, %add3A_177 : i32
        %get3A_179 = arith.index_cast %add3A_178 : i32 to index
        %get3A_180 = tpu.vector_load %arg6[%get3A_179] {strides = array<i32>} : memref<36864xf32, #tpu.memory_space<vmem>>, vector<16xf32>,
        %get3A_181 = vector.shape_cast %get3A_180 : vector<16xf32> to vector<16xf32>
        %mul3A_182 = arith.mulf %get3A_176, %add3A_119 : vector<16xf32>
        %add3A_183 = arith.addf %get3A_181, %mul3A_182 : vector<16xf32>
        %swap3A_184 = arith.index_cast %add3A_178 : i32 to index
        %swap3A_185 = tpu.vector_load %arg6[%swap3A_184] {strides = array<i32>} : memref<36864xf32, #tpu.memory_space<vmem>>, vector<16xf32>,
        %swap3A_186 = vector.shape_cast %swap3A_185 : vector<16xf32> to vector<16xf32>
        %swap3A_187 = vector.shape_cast %add3A_183 : vector<16xf32> to vector<16xf32>
        tpu.vector_store %arg6[%swap3A_184], %swap3A_187 {strides = array<i32>} : memref<36864xf32, #tpu.memory_space<vmem>>, vector<16xf32>,
        %add3A_188 = arith.constant 64 : i32
        %add3A_189 = arith.addi %mul3A_121, %add3A_188 : i32
        %get3A_190 = arith.index_cast %add3A_189 : i32 to index
        %get3A_191 = tpu.vector_load %arg7[%get3A_190] {strides = array<i32>} : memref<16384xf32, #tpu.memory_space<vmem>>, vector<16xf32>,
        %get3A_192 = vector.shape_cast %get3A_191 : vector<16xf32> to vector<16xf32>
        %add3A_193 = arith.constant 64 : i32
        %add3A_194 = arith.addi %mul3A_123, %add3A_193 : i32
        %get3A_195 = arith.index_cast %add3A_194 : i32 to index
        %get3A_196 = tpu.vector_load %arg6[%get3A_195] {strides = array<i32>} : memref<36864xf32, #tpu.memory_space<vmem>>, vector<16xf32>,
        %get3A_197 = vector.shape_cast %get3A_196 : vector<16xf32> to vector<16xf32>
        %mul3A_198 = arith.mulf %get3A_192, %add3A_119 : vector<16xf32>
        %add3A_199 = arith.addf %get3A_197, %mul3A_198 : vector<16xf32>
        %swap3A_200 = arith.index_cast %add3A_194 : i32 to index
        %swap3A_201 = tpu.vector_load %arg6[%swap3A_200] {strides = array<i32>} : memref<36864xf32, #tpu.memory_space<vmem>>, vector<16xf32>,
        %swap3A_202 = vector.shape_cast %swap3A_201 : vector<16xf32> to vector<16xf32>
        %swap3A_203 = vector.shape_cast %add3A_199 : vector<16xf32> to vector<16xf32>
        tpu.vector_store %arg6[%swap3A_200], %swap3A_203 {strides = array<i32>} : memref<36864xf32, #tpu.memory_space<vmem>>, vector<16xf32>,
        %add3A_204 = arith.constant 80 : i32
        %add3A_205 = arith.addi %mul3A_121, %add3A_204 : i32
        %get3A_206 = arith.index_cast %add3A_205 : i32 to index
        %get3A_207 = tpu.vector_load %arg7[%get3A_206] {strides = array<i32>} : memref<16384xf32, #tpu.memory_space<vmem>>, vector<16xf32>,
        %get3A_208 = vector.shape_cast %get3A_207 : vector<16xf32> to vector<16xf32>
        %add3A_209 = arith.constant 80 : i32
        %add3A_210 = arith.addi %mul3A_123, %add3A_209 : i32
        %get3A_211 = arith.index_cast %add3A_210 : i32 to index
        %get3A_212 = tpu.vector_load %arg6[%get3A_211] {strides = array<i32>} : memref<36864xf32, #tpu.memory_space<vmem>>, vector<16xf32>,
        %get3A_213 = vector.shape_cast %get3A_212 : vector<16xf32> to vector<16xf32>
        %mul3A_214 = arith.mulf %get3A_208, %add3A_119 : vector<16xf32>
        %add3A_215 = arith.addf %get3A_213, %mul3A_214 : vector<16xf32>
        %swap3A_216 = arith.index_cast %add3A_210 : i32 to index
        %swap3A_217 = tpu.vector_load %arg6[%swap3A_216] {strides = array<i32>} : memref<36864xf32, #tpu.memory_space<vmem>>, vector<16xf32>,
        %swap3A_218 = vector.shape_cast %swap3A_217 : vector<16xf32> to vector<16xf32>
        %swap3A_219 = vector.shape_cast %add3A_215 : vector<16xf32> to vector<16xf32>
        tpu.vector_store %arg6[%swap3A_216], %swap3A_219 {strides = array<i32>} : memref<36864xf32, #tpu.memory_space<vmem>>, vector<16xf32>,
        %add3A_220 = arith.constant 96 : i32
        %add3A_221 = arith.addi %mul3A_121, %add3A_220 : i32
        %get3A_222 = arith.index_cast %add3A_221 : i32 to index
        %get3A_223 = tpu.vector_load %arg7[%get3A_222] {strides = array<i32>} : memref<16384xf32, #tpu.memory_space<vmem>>, vector<16xf32>,
        %get3A_224 = vector.shape_cast %get3A_223 : vector<16xf32> to vector<16xf32>
        %add3A_225 = arith.constant 96 : i32
        %add3A_226 = arith.addi %mul3A_123, %add3A_225 : i32
        %get3A_227 = arith.index_cast %add3A_226 : i32 to index
        %get3A_228 = tpu.vector_load %arg6[%get3A_227] {strides = array<i32>} : memref<36864xf32, #tpu.memory_space<vmem>>, vector<16xf32>,
        %get3A_229 = vector.shape_cast %get3A_228 : vector<16xf32> to vector<16xf32>
        %mul3A_230 = arith.mulf %get3A_224, %add3A_119 : vector<16xf32>
        %add3A_231 = arith.addf %get3A_229, %mul3A_230 : vector<16xf32>
        %swap3A_232 = arith.index_cast %add3A_226 : i32 to index
        %swap3A_233 = tpu.vector_load %arg6[%swap3A_232] {strides = array<i32>} : memref<36864xf32, #tpu.memory_space<vmem>>, vector<16xf32>,
        %swap3A_234 = vector.shape_cast %swap3A_233 : vector<16xf32> to vector<16xf32>
        %swap3A_235 = vector.shape_cast %add3A_231 : vector<16xf32> to vector<16xf32>
        tpu.vector_store %arg6[%swap3A_232], %swap3A_235 {strides = array<i32>} : memref<36864xf32, #tpu.memory_space<vmem>>, vector<16xf32>,
        %add3A_236 = arith.constant 112 : i32
        %add3A_237 = arith.addi %mul3A_121, %add3A_236 : i32
        %get3A_238 = arith.index_cast %add3A_237 : i32 to index
        %get3A_239 = tpu.vector_load %arg7[%get3A_238] {strides = array<i32>} : memref<16384xf32, #tpu.memory_space<vmem>>, vector<16xf32>,
        %get3A_240 = vector.shape_cast %get3A_239 : vector<16xf32> to vector<16xf32>
        %add3A_241 = arith.constant 112 : i32
        %add3A_242 = arith.addi %mul3A_123, %add3A_241 : i32
        %get3A_243 = arith.index_cast %add3A_242 : i32 to index
        %get3A_244 = tpu.vector_load %arg6[%get3A_243] {strides = array<i32>} : memref<36864xf32, #tpu.memory_space<vmem>>, vector<16xf32>,
        %get3A_245 = vector.shape_cast %get3A_244 : vector<16xf32> to vector<16xf32>
        %mul3A_246 = arith.mulf %get3A_240, %add3A_119 : vector<16xf32>
        %add3A_247 = arith.addf %get3A_245, %mul3A_246 : vector<16xf32>
        %swap3A_248 = arith.index_cast %add3A_242 : i32 to index
        %swap3A_249 = tpu.vector_load %arg6[%swap3A_248] {strides = array<i32>} : memref<36864xf32, #tpu.memory_space<vmem>>, vector<16xf32>,
        %swap3A_250 = vector.shape_cast %swap3A_249 : vector<16xf32> to vector<16xf32>
        %swap3A_251 = vector.shape_cast %add3A_247 : vector<16xf32> to vector<16xf32>
        tpu.vector_store %arg6[%swap3A_248], %swap3A_251 {strides = array<i32>} : memref<36864xf32, #tpu.memory_space<vmem>>, vector<16xf32>,
        %add3A_252 = arith.constant 128 : i32
        %add3A_253 = arith.addi %mul3A_123, %add3A_252 : i32
        %get3A_254 = arith.index_cast %add3A_253 : i32 to index
        %get3A_255 = tpu.vector_load %arg6[%get3A_254] {strides = array<i32>} : memref<36864xf32, #tpu.memory_space<vmem>>, vector<16xf32>,
        %get3A_256 = vector.shape_cast %get3A_255 : vector<16xf32> to vector<16xf32>
        %add3A_257 = arith.addf %get3A_256, %add3A_119 : vector<16xf32>
        %swap3A_258 = arith.index_cast %add3A_253 : i32 to index
        %swap3A_259 = tpu.vector_load %arg6[%swap3A_258] {strides = array<i32>} : memref<36864xf32, #tpu.memory_space<vmem>>, vector<16xf32>,
        %swap3A_260 = vector.shape_cast %swap3A_259 : vector<16xf32> to vector<16xf32>
        %swap3A_261 = vector.shape_cast %add3A_257 : vector<16xf32> to vector<16xf32>
        tpu.vector_store %arg6[%swap3A_258], %swap3A_261 {strides = array<i32>} : memref<36864xf32, #tpu.memory_space<vmem>>, vector<16xf32>,
      }
      %scan3A_107 = arith.constant 128 : i32
    }
    %eq3A_31 = arith.constant 31 : i32
    %eq3A_32 = arith.cmpi eq, %add3A, %eq3A_31 : i32
    %convert_element_type3A_33 = arith.extui %eq3A_32 : i1 to i32
    %cond3A = arith.constant 0 : i32
    %cond3A_34 = arith.cmpi ne, %convert_element_type3A_33, %cond3A : i32
    scf.if %cond3A_34 {
      "tpu.region"() ({
        %run_scoped3A = tpu.sem_alloc : memref<!tpu.dma_semaphore, #tpu.memory_space<semaphore_mem>>
        %dma_start3A = arith.constant 0 : i32
        %dma_start3A_54 = tpu.memref_slice %arg7[%dma_start3A] : memref<16384xf32, #tpu.memory_space<vmem>> -> memref<4096xf32, #tpu.memory_space<vmem>>
        %dma_start3A_55 = arith.constant 12795904 : i32
        %dma_start3A_56 = tpu.memref_slice %arg2[%dma_start3A_55] : memref<12800000xf32, #tpu.memory_space<hbm>> -> memref<4096xf32, #tpu.memory_space<hbm>>
        %dma_start3A_57 = arith.constant 0 : i32
        %dma_start3A_58 = tpu.memref_slice %arg7[%dma_start3A_57] : memref<16384xf32, #tpu.memory_space<vmem>> -> memref<4096xf32, #tpu.memory_space<vmem>>
        %dma_start3A_59 = arith.constant 12795904 : i32
        %dma_start3A_60 = tpu.memref_slice %arg2[%dma_start3A_59] : memref<12800000xf32, #tpu.memory_space<hbm>> -> memref<4096xf32, #tpu.memory_space<hbm>>
        tpu.enqueue_dma source(%dma_start3A_60 : memref<4096xf32, #tpu.memory_space<hbm>>) target(%dma_start3A_58 : memref<4096xf32, #tpu.memory_space<vmem>>) target_semaphore(%run_scoped3A : memref<!tpu.dma_semaphore, #tpu.memory_space<semaphore_mem>>)
        %dma_wait3A = arith.constant 0 : i32
        %dma_wait3A_61 = tpu.memref_slice %arg7[%dma_wait3A] : memref<16384xf32, #tpu.memory_space<vmem>> -> memref<4096xf32, #tpu.memory_space<vmem>>
        %dma_wait3A_62 = arith.constant 12795904 : i32
        %dma_wait3A_63 = tpu.memref_slice %arg2[%dma_wait3A_62] : memref<12800000xf32, #tpu.memory_space<hbm>> -> memref<4096xf32, #tpu.memory_space<hbm>>
        %dma_wait3A_64 = arith.constant 0 : i32
        %dma_wait3A_65 = tpu.memref_slice %arg7[%dma_wait3A_64] : memref<16384xf32, #tpu.memory_space<vmem>> -> memref<4096xf32, #tpu.memory_space<vmem>>
        %dma_wait3A_66 = arith.constant 12795904 : i32
        %dma_wait3A_67 = tpu.memref_slice %arg2[%dma_wait3A_66] : memref<12800000xf32, #tpu.memory_space<hbm>> -> memref<4096xf32, #tpu.memory_space<hbm>>
        tpu.wait_dma2 semaphore(%run_scoped3A : memref<!tpu.dma_semaphore, #tpu.memory_space<semaphore_mem>>) src(%dma_wait3A_67 : memref<4096xf32, #tpu.memory_space<hbm>>) dst(%dma_wait3A_65 : memref<4096xf32, #tpu.memory_space<vmem>>)
        tpu.yield
      }) : () -> ()
      "tpu.region"() ({
        %run_scoped3A = tpu.sem_alloc : memref<!tpu.dma_semaphore, #tpu.memory_space<semaphore_mem>>
        %dma_start3A = arith.constant 0 : i32
        %dma_start3A_54 = tpu.memref_slice %arg8[%dma_start3A] : memref<128xf32, #tpu.memory_space<vmem>> -> memref<32xf32, #tpu.memory_space<vmem>>
        %dma_start3A_55 = arith.constant 99968 : i32
        %dma_start3A_56 = tpu.memref_slice %arg3[%dma_start3A_55] : memref<100000xf32, #tpu.memory_space<hbm>> -> memref<32xf32, #tpu.memory_space<hbm>>
        %dma_start3A_57 = arith.constant 0 : i32
        %dma_start3A_58 = tpu.memref_slice %arg8[%dma_start3A_57] : memref<128xf32, #tpu.memory_space<vmem>> -> memref<32xf32, #tpu.memory_space<vmem>>
        %dma_start3A_59 = arith.constant 99968 : i32
        %dma_start3A_60 = tpu.memref_slice %arg3[%dma_start3A_59] : memref<100000xf32, #tpu.memory_space<hbm>> -> memref<32xf32, #tpu.memory_space<hbm>>
        tpu.enqueue_dma source(%dma_start3A_60 : memref<32xf32, #tpu.memory_space<hbm>>) target(%dma_start3A_58 : memref<32xf32, #tpu.memory_space<vmem>>) target_semaphore(%run_scoped3A : memref<!tpu.dma_semaphore, #tpu.memory_space<semaphore_mem>>)
        %dma_wait3A = arith.constant 0 : i32
        %dma_wait3A_61 = tpu.memref_slice %arg8[%dma_wait3A] : memref<128xf32, #tpu.memory_space<vmem>> -> memref<32xf32, #tpu.memory_space<vmem>>
        %dma_wait3A_62 = arith.constant 99968 : i32
        %dma_wait3A_63 = tpu.memref_slice %arg3[%dma_wait3A_62] : memref<100000xf32, #tpu.memory_space<hbm>> -> memref<32xf32, #tpu.memory_space<hbm>>
        %dma_wait3A_64 = arith.constant 0 : i32
        %dma_wait3A_65 = tpu.memref_slice %arg8[%dma_wait3A_64] : memref<128xf32, #tpu.memory_space<vmem>> -> memref<32xf32, #tpu.memory_space<vmem>>
        %dma_wait3A_66 = arith.constant 99968 : i32
        %dma_wait3A_67 = tpu.memref_slice %arg3[%dma_wait3A_66] : memref<100000xf32, #tpu.memory_space<hbm>> -> memref<32xf32, #tpu.memory_space<hbm>>
        tpu.wait_dma2 semaphore(%run_scoped3A : memref<!tpu.dma_semaphore, #tpu.memory_space<semaphore_mem>>) src(%dma_wait3A_67 : memref<32xf32, #tpu.memory_space<hbm>>) dst(%dma_wait3A_65 : memref<32xf32, #tpu.memory_space<vmem>>)
        tpu.yield
      }) : () -> ()
      "tpu.region"() ({
        %run_scoped3A = tpu.sem_alloc : memref<!tpu.dma_semaphore, #tpu.memory_space<semaphore_mem>>
        %dma_start3A = arith.constant 0 : i32
        %dma_start3A_54 = tpu.memref_slice %arg9[%dma_start3A] : memref<144xf32, #tpu.memory_space<vmem>> -> memref<32xf32, #tpu.memory_space<vmem>>
        %dma_start3A_55 = arith.constant 99968 : i32
        %dma_start3A_56 = tpu.memref_slice %arg4[%dma_start3A_55] : memref<100000xf32, #tpu.memory_space<hbm>> -> memref<32xf32, #tpu.memory_space<hbm>>
        %dma_start3A_57 = arith.constant 0 : i32
        %dma_start3A_58 = tpu.memref_slice %arg9[%dma_start3A_57] : memref<144xf32, #tpu.memory_space<vmem>> -> memref<32xf32, #tpu.memory_space<vmem>>
        %dma_start3A_59 = arith.constant 99968 : i32
        %dma_start3A_60 = tpu.memref_slice %arg4[%dma_start3A_59] : memref<100000xf32, #tpu.memory_space<hbm>> -> memref<32xf32, #tpu.memory_space<hbm>>
        tpu.enqueue_dma source(%dma_start3A_60 : memref<32xf32, #tpu.memory_space<hbm>>) target(%dma_start3A_58 : memref<32xf32, #tpu.memory_space<vmem>>) target_semaphore(%run_scoped3A : memref<!tpu.dma_semaphore, #tpu.memory_space<semaphore_mem>>)
        %dma_wait3A = arith.constant 0 : i32
        %dma_wait3A_61 = tpu.memref_slice %arg9[%dma_wait3A] : memref<144xf32, #tpu.memory_space<vmem>> -> memref<32xf32, #tpu.memory_space<vmem>>
        %dma_wait3A_62 = arith.constant 99968 : i32
        %dma_wait3A_63 = tpu.memref_slice %arg4[%dma_wait3A_62] : memref<100000xf32, #tpu.memory_space<hbm>> -> memref<32xf32, #tpu.memory_space<hbm>>
        %dma_wait3A_64 = arith.constant 0 : i32
        %dma_wait3A_65 = tpu.memref_slice %arg9[%dma_wait3A_64] : memref<144xf32, #tpu.memory_space<vmem>> -> memref<32xf32, #tpu.memory_space<vmem>>
        %dma_wait3A_66 = arith.constant 99968 : i32
        %dma_wait3A_67 = tpu.memref_slice %arg4[%dma_wait3A_66] : memref<100000xf32, #tpu.memory_space<hbm>> -> memref<32xf32, #tpu.memory_space<hbm>>
        tpu.wait_dma2 semaphore(%run_scoped3A : memref<!tpu.dma_semaphore, #tpu.memory_space<semaphore_mem>>) src(%dma_wait3A_67 : memref<32xf32, #tpu.memory_space<hbm>>) dst(%dma_wait3A_65 : memref<32xf32, #tpu.memory_space<vmem>>)
        tpu.yield
      }) : () -> ()
      %get3A = arith.constant 0 : index
      %get3A_35 = tpu.vector_load %arg8[%get3A] {strides = array<i32>} : memref<128xf32, #tpu.memory_space<vmem>>, vector<16xf32>,
      %get3A_36 = vector.shape_cast %get3A_35 : vector<16xf32> to vector<16xf32>
      %exp3A = math.exp %get3A_36 : vector<16xf32>
      %swap3A = arith.constant 0 : index
      %swap3A_37 = tpu.vector_load %arg10[%swap3A] {strides = array<i32>} : memref<144xf32, #tpu.memory_space<vmem>>, vector<16xf32>,
      %swap3A_38 = vector.shape_cast %swap3A_37 : vector<16xf32> to vector<16xf32>
      %swap3A_39 = vector.shape_cast %exp3A : vector<16xf32> to vector<16xf32>
      tpu.vector_store %arg10[%swap3A], %swap3A_39 {strides = array<i32>} : memref<144xf32, #tpu.memory_space<vmem>>, vector<16xf32>,
      %get3A_40 = arith.constant 16 : index
      %get3A_41 = tpu.vector_load %arg8[%get3A_40] {strides = array<i32>} : memref<128xf32, #tpu.memory_space<vmem>>, vector<16xf32>,
      %get3A_42 = vector.shape_cast %get3A_41 : vector<16xf32> to vector<16xf32>
      %exp3A_43 = math.exp %get3A_42 : vector<16xf32>
      %swap3A_44 = arith.constant 16 : index
      %swap3A_45 = tpu.vector_load %arg10[%swap3A_44] {strides = array<i32>} : memref<144xf32, #tpu.memory_space<vmem>>, vector<16xf32>,
      %swap3A_46 = vector.shape_cast %swap3A_45 : vector<16xf32> to vector<16xf32>
      %swap3A_47 = vector.shape_cast %exp3A_43 : vector<16xf32> to vector<16xf32>
      tpu.vector_store %arg10[%swap3A_44], %swap3A_47 {strides = array<i32>} : memref<144xf32, #tpu.memory_space<vmem>>, vector<16xf32>,
      %scan3A_48 = arith.constant 0 : i32
      %scan3A_49 = arith.constant 0 : i32
      %scan3A_50 = arith.constant 32 : i32
      %scan3A_51 = arith.addi %scan3A_49, %scan3A_50 : i32
      %scan3A_52 = arith.constant 1 : i32
      scf.for %scan3A_54 = %scan3A_49 to %scan3A_51 step %scan3A_52  : i32 {
        %get3A_55 = arith.index_cast %scan3A_54 : i32 to index
        %get3A_56 = tpu.vector_load %arg9[%get3A_55] {strides = array<i32>} : memref<144xf32, #tpu.memory_space<vmem>>, vector<16xf32>,
        %get3A_57 = vector.shape_cast %get3A_56 : vector<16xf32> to vector<16xf32>
        %slice3A = vector.extract_strided_slice %get3A_57 {offsets = [0], sizes = [1], strides = [1]} : vector<16xf32> to vector<1xf32>
        %squeeze3A = vector.extract %slice3A[0] : f32 from vector<1xf32>
        %convert_element_type3A_58 = arith.fptosi %squeeze3A : f32 to i32
        %get3A_59 = arith.index_cast %scan3A_54 : i32 to index
        %get3A_60 = tpu.vector_load %arg10[%get3A_59] {strides = array<i32>} : memref<144xf32, #tpu.memory_space<vmem>>, vector<16xf32>,
        %get3A_61 = vector.shape_cast %get3A_60 : vector<16xf32> to vector<16xf32>
        %slice3A_62 = vector.extract_strided_slice %get3A_61 {offsets = [0], sizes = [1], strides = [1]} : vector<16xf32> to vector<1xf32>
        %squeeze3A_63 = vector.extract %slice3A_62[0] : f32 from vector<1xf32>
        %add3A_64 = vector.broadcast %squeeze3A_63 : f32 to vector<16xf32>
        %add3A_65 = arith.addf %broadcast_in_dim3A_1, %add3A_64 : vector<16xf32>
        %mul3A_66 = arith.constant 128 : i32
        %mul3A_67 = arith.muli %scan3A_54, %mul3A_66 : i32
        %mul3A_68 = arith.constant 144 : i32
        %mul3A_69 = arith.muli %convert_element_type3A_58, %mul3A_68 : i32
        %add3A_70 = arith.constant 0 : i32
        %add3A_71 = arith.addi %mul3A_67, %add3A_70 : i32
        %get3A_72 = arith.index_cast %add3A_71 : i32 to index
        %get3A_73 = tpu.vector_load %arg7[%get3A_72] {strides = array<i32>} : memref<16384xf32, #tpu.memory_space<vmem>>, vector<16xf32>,
        %get3A_74 = vector.shape_cast %get3A_73 : vector<16xf32> to vector<16xf32>
        %add3A_75 = arith.constant 0 : i32
        %add3A_76 = arith.addi %mul3A_69, %add3A_75 : i32
        %get3A_77 = arith.index_cast %add3A_76 : i32 to index
        %get3A_78 = tpu.vector_load %arg6[%get3A_77] {strides = array<i32>} : memref<36864xf32, #tpu.memory_space<vmem>>, vector<16xf32>,
        %get3A_79 = vector.shape_cast %get3A_78 : vector<16xf32> to vector<16xf32>
        %mul3A_80 = arith.mulf %get3A_74, %add3A_65 : vector<16xf32>
        %add3A_81 = arith.addf %get3A_79, %mul3A_80 : vector<16xf32>
        %swap3A_82 = arith.index_cast %add3A_76 : i32 to index
        %swap3A_83 = tpu.vector_load %arg6[%swap3A_82] {strides = array<i32>} : memref<36864xf32, #tpu.memory_space<vmem>>, vector<16xf32>,
        %swap3A_84 = vector.shape_cast %swap3A_83 : vector<16xf32> to vector<16xf32>
        %swap3A_85 = vector.shape_cast %add3A_81 : vector<16xf32> to vector<16xf32>
        tpu.vector_store %arg6[%swap3A_82], %swap3A_85 {strides = array<i32>} : memref<36864xf32, #tpu.memory_space<vmem>>, vector<16xf32>,
        %add3A_86 = arith.constant 16 : i32
        %add3A_87 = arith.addi %mul3A_67, %add3A_86 : i32
        %get3A_88 = arith.index_cast %add3A_87 : i32 to index
        %get3A_89 = tpu.vector_load %arg7[%get3A_88] {strides = array<i32>} : memref<16384xf32, #tpu.memory_space<vmem>>, vector<16xf32>,
        %get3A_90 = vector.shape_cast %get3A_89 : vector<16xf32> to vector<16xf32>
        %add3A_91 = arith.constant 16 : i32
        %add3A_92 = arith.addi %mul3A_69, %add3A_91 : i32
        %get3A_93 = arith.index_cast %add3A_92 : i32 to index
        %get3A_94 = tpu.vector_load %arg6[%get3A_93] {strides = array<i32>} : memref<36864xf32, #tpu.memory_space<vmem>>, vector<16xf32>,
        %get3A_95 = vector.shape_cast %get3A_94 : vector<16xf32> to vector<16xf32>
        %mul3A_96 = arith.mulf %get3A_90, %add3A_65 : vector<16xf32>
        %add3A_97 = arith.addf %get3A_95, %mul3A_96 : vector<16xf32>
        %swap3A_98 = arith.index_cast %add3A_92 : i32 to index
        %swap3A_99 = tpu.vector_load %arg6[%swap3A_98] {strides = array<i32>} : memref<36864xf32, #tpu.memory_space<vmem>>, vector<16xf32>,
        %swap3A_100 = vector.shape_cast %swap3A_99 : vector<16xf32> to vector<16xf32>
        %swap3A_101 = vector.shape_cast %add3A_97 : vector<16xf32> to vector<16xf32>
        tpu.vector_store %arg6[%swap3A_98], %swap3A_101 {strides = array<i32>} : memref<36864xf32, #tpu.memory_space<vmem>>, vector<16xf32>,
        %add3A_102 = arith.constant 32 : i32
        %add3A_103 = arith.addi %mul3A_67, %add3A_102 : i32
        %get3A_104 = arith.index_cast %add3A_103 : i32 to index
        %get3A_105 = tpu.vector_load %arg7[%get3A_104] {strides = array<i32>} : memref<16384xf32, #tpu.memory_space<vmem>>, vector<16xf32>,
        %get3A_106 = vector.shape_cast %get3A_105 : vector<16xf32> to vector<16xf32>
        %add3A_107 = arith.constant 32 : i32
        %add3A_108 = arith.addi %mul3A_69, %add3A_107 : i32
        %get3A_109 = arith.index_cast %add3A_108 : i32 to index
        %get3A_110 = tpu.vector_load %arg6[%get3A_109] {strides = array<i32>} : memref<36864xf32, #tpu.memory_space<vmem>>, vector<16xf32>,
        %get3A_111 = vector.shape_cast %get3A_110 : vector<16xf32> to vector<16xf32>
        %mul3A_112 = arith.mulf %get3A_106, %add3A_65 : vector<16xf32>
        %add3A_113 = arith.addf %get3A_111, %mul3A_112 : vector<16xf32>
        %swap3A_114 = arith.index_cast %add3A_108 : i32 to index
        %swap3A_115 = tpu.vector_load %arg6[%swap3A_114] {strides = array<i32>} : memref<36864xf32, #tpu.memory_space<vmem>>, vector<16xf32>,
        %swap3A_116 = vector.shape_cast %swap3A_115 : vector<16xf32> to vector<16xf32>
        %swap3A_117 = vector.shape_cast %add3A_113 : vector<16xf32> to vector<16xf32>
        tpu.vector_store %arg6[%swap3A_114], %swap3A_117 {strides = array<i32>} : memref<36864xf32, #tpu.memory_space<vmem>>, vector<16xf32>,
        %add3A_118 = arith.constant 48 : i32
        %add3A_119 = arith.addi %mul3A_67, %add3A_118 : i32
        %get3A_120 = arith.index_cast %add3A_119 : i32 to index
        %get3A_121 = tpu.vector_load %arg7[%get3A_120] {strides = array<i32>} : memref<16384xf32, #tpu.memory_space<vmem>>, vector<16xf32>,
        %get3A_122 = vector.shape_cast %get3A_121 : vector<16xf32> to vector<16xf32>
        %add3A_123 = arith.constant 48 : i32
        %add3A_124 = arith.addi %mul3A_69, %add3A_123 : i32
        %get3A_125 = arith.index_cast %add3A_124 : i32 to index
        %get3A_126 = tpu.vector_load %arg6[%get3A_125] {strides = array<i32>} : memref<36864xf32, #tpu.memory_space<vmem>>, vector<16xf32>,
        %get3A_127 = vector.shape_cast %get3A_126 : vector<16xf32> to vector<16xf32>
        %mul3A_128 = arith.mulf %get3A_122, %add3A_65 : vector<16xf32>
        %add3A_129 = arith.addf %get3A_127, %mul3A_128 : vector<16xf32>
        %swap3A_130 = arith.index_cast %add3A_124 : i32 to index
        %swap3A_131 = tpu.vector_load %arg6[%swap3A_130] {strides = array<i32>} : memref<36864xf32, #tpu.memory_space<vmem>>, vector<16xf32>,
        %swap3A_132 = vector.shape_cast %swap3A_131 : vector<16xf32> to vector<16xf32>
        %swap3A_133 = vector.shape_cast %add3A_129 : vector<16xf32> to vector<16xf32>
        tpu.vector_store %arg6[%swap3A_130], %swap3A_133 {strides = array<i32>} : memref<36864xf32, #tpu.memory_space<vmem>>, vector<16xf32>,
        %add3A_134 = arith.constant 64 : i32
        %add3A_135 = arith.addi %mul3A_67, %add3A_134 : i32
        %get3A_136 = arith.index_cast %add3A_135 : i32 to index
        %get3A_137 = tpu.vector_load %arg7[%get3A_136] {strides = array<i32>} : memref<16384xf32, #tpu.memory_space<vmem>>, vector<16xf32>,
        %get3A_138 = vector.shape_cast %get3A_137 : vector<16xf32> to vector<16xf32>
        %add3A_139 = arith.constant 64 : i32
        %add3A_140 = arith.addi %mul3A_69, %add3A_139 : i32
        %get3A_141 = arith.index_cast %add3A_140 : i32 to index
        %get3A_142 = tpu.vector_load %arg6[%get3A_141] {strides = array<i32>} : memref<36864xf32, #tpu.memory_space<vmem>>, vector<16xf32>,
        %get3A_143 = vector.shape_cast %get3A_142 : vector<16xf32> to vector<16xf32>
        %mul3A_144 = arith.mulf %get3A_138, %add3A_65 : vector<16xf32>
        %add3A_145 = arith.addf %get3A_143, %mul3A_144 : vector<16xf32>
        %swap3A_146 = arith.index_cast %add3A_140 : i32 to index
        %swap3A_147 = tpu.vector_load %arg6[%swap3A_146] {strides = array<i32>} : memref<36864xf32, #tpu.memory_space<vmem>>, vector<16xf32>,
        %swap3A_148 = vector.shape_cast %swap3A_147 : vector<16xf32> to vector<16xf32>
        %swap3A_149 = vector.shape_cast %add3A_145 : vector<16xf32> to vector<16xf32>
        tpu.vector_store %arg6[%swap3A_146], %swap3A_149 {strides = array<i32>} : memref<36864xf32, #tpu.memory_space<vmem>>, vector<16xf32>,
        %add3A_150 = arith.constant 80 : i32
        %add3A_151 = arith.addi %mul3A_67, %add3A_150 : i32
        %get3A_152 = arith.index_cast %add3A_151 : i32 to index
        %get3A_153 = tpu.vector_load %arg7[%get3A_152] {strides = array<i32>} : memref<16384xf32, #tpu.memory_space<vmem>>, vector<16xf32>,
        %get3A_154 = vector.shape_cast %get3A_153 : vector<16xf32> to vector<16xf32>
        %add3A_155 = arith.constant 80 : i32
        %add3A_156 = arith.addi %mul3A_69, %add3A_155 : i32
        %get3A_157 = arith.index_cast %add3A_156 : i32 to index
        %get3A_158 = tpu.vector_load %arg6[%get3A_157] {strides = array<i32>} : memref<36864xf32, #tpu.memory_space<vmem>>, vector<16xf32>,
        %get3A_159 = vector.shape_cast %get3A_158 : vector<16xf32> to vector<16xf32>
        %mul3A_160 = arith.mulf %get3A_154, %add3A_65 : vector<16xf32>
        %add3A_161 = arith.addf %get3A_159, %mul3A_160 : vector<16xf32>
        %swap3A_162 = arith.index_cast %add3A_156 : i32 to index
        %swap3A_163 = tpu.vector_load %arg6[%swap3A_162] {strides = array<i32>} : memref<36864xf32, #tpu.memory_space<vmem>>, vector<16xf32>,
        %swap3A_164 = vector.shape_cast %swap3A_163 : vector<16xf32> to vector<16xf32>
        %swap3A_165 = vector.shape_cast %add3A_161 : vector<16xf32> to vector<16xf32>
        tpu.vector_store %arg6[%swap3A_162], %swap3A_165 {strides = array<i32>} : memref<36864xf32, #tpu.memory_space<vmem>>, vector<16xf32>,
        %add3A_166 = arith.constant 96 : i32
        %add3A_167 = arith.addi %mul3A_67, %add3A_166 : i32
        %get3A_168 = arith.index_cast %add3A_167 : i32 to index
        %get3A_169 = tpu.vector_load %arg7[%get3A_168] {strides = array<i32>} : memref<16384xf32, #tpu.memory_space<vmem>>, vector<16xf32>,
        %get3A_170 = vector.shape_cast %get3A_169 : vector<16xf32> to vector<16xf32>
        %add3A_171 = arith.constant 96 : i32
        %add3A_172 = arith.addi %mul3A_69, %add3A_171 : i32
        %get3A_173 = arith.index_cast %add3A_172 : i32 to index
        %get3A_174 = tpu.vector_load %arg6[%get3A_173] {strides = array<i32>} : memref<36864xf32, #tpu.memory_space<vmem>>, vector<16xf32>,
        %get3A_175 = vector.shape_cast %get3A_174 : vector<16xf32> to vector<16xf32>
        %mul3A_176 = arith.mulf %get3A_170, %add3A_65 : vector<16xf32>
        %add3A_177 = arith.addf %get3A_175, %mul3A_176 : vector<16xf32>
        %swap3A_178 = arith.index_cast %add3A_172 : i32 to index
        %swap3A_179 = tpu.vector_load %arg6[%swap3A_178] {strides = array<i32>} : memref<36864xf32, #tpu.memory_space<vmem>>, vector<16xf32>,
        %swap3A_180 = vector.shape_cast %swap3A_179 : vector<16xf32> to vector<16xf32>
        %swap3A_181 = vector.shape_cast %add3A_177 : vector<16xf32> to vector<16xf32>
        tpu.vector_store %arg6[%swap3A_178], %swap3A_181 {strides = array<i32>} : memref<36864xf32, #tpu.memory_space<vmem>>, vector<16xf32>,
        %add3A_182 = arith.constant 112 : i32
        %add3A_183 = arith.addi %mul3A_67, %add3A_182 : i32
        %get3A_184 = arith.index_cast %add3A_183 : i32 to index
        %get3A_185 = tpu.vector_load %arg7[%get3A_184] {strides = array<i32>} : memref<16384xf32, #tpu.memory_space<vmem>>, vector<16xf32>,
        %get3A_186 = vector.shape_cast %get3A_185 : vector<16xf32> to vector<16xf32>
        %add3A_187 = arith.constant 112 : i32
        %add3A_188 = arith.addi %mul3A_69, %add3A_187 : i32
        %get3A_189 = arith.index_cast %add3A_188 : i32 to index
        %get3A_190 = tpu.vector_load %arg6[%get3A_189] {strides = array<i32>} : memref<36864xf32, #tpu.memory_space<vmem>>, vector<16xf32>,
        %get3A_191 = vector.shape_cast %get3A_190 : vector<16xf32> to vector<16xf32>
        %mul3A_192 = arith.mulf %get3A_186, %add3A_65 : vector<16xf32>
        %add3A_193 = arith.addf %get3A_191, %mul3A_192 : vector<16xf32>
        %swap3A_194 = arith.index_cast %add3A_188 : i32 to index
        %swap3A_195 = tpu.vector_load %arg6[%swap3A_194] {strides = array<i32>} : memref<36864xf32, #tpu.memory_space<vmem>>, vector<16xf32>,
        %swap3A_196 = vector.shape_cast %swap3A_195 : vector<16xf32> to vector<16xf32>
        %swap3A_197 = vector.shape_cast %add3A_193 : vector<16xf32> to vector<16xf32>
        tpu.vector_store %arg6[%swap3A_194], %swap3A_197 {strides = array<i32>} : memref<36864xf32, #tpu.memory_space<vmem>>, vector<16xf32>,
        %add3A_198 = arith.constant 128 : i32
        %add3A_199 = arith.addi %mul3A_69, %add3A_198 : i32
        %get3A_200 = arith.index_cast %add3A_199 : i32 to index
        %get3A_201 = tpu.vector_load %arg6[%get3A_200] {strides = array<i32>} : memref<36864xf32, #tpu.memory_space<vmem>>, vector<16xf32>,
        %get3A_202 = vector.shape_cast %get3A_201 : vector<16xf32> to vector<16xf32>
        %add3A_203 = arith.addf %get3A_202, %add3A_65 : vector<16xf32>
        %swap3A_204 = arith.index_cast %add3A_199 : i32 to index
        %swap3A_205 = tpu.vector_load %arg6[%swap3A_204] {strides = array<i32>} : memref<36864xf32, #tpu.memory_space<vmem>>, vector<16xf32>,
        %swap3A_206 = vector.shape_cast %swap3A_205 : vector<16xf32> to vector<16xf32>
        %swap3A_207 = vector.shape_cast %add3A_203 : vector<16xf32> to vector<16xf32>
        tpu.vector_store %arg6[%swap3A_204], %swap3A_207 {strides = array<i32>} : memref<36864xf32, #tpu.memory_space<vmem>>, vector<16xf32>,
      }
      %scan3A_53 = arith.constant 32 : i32
    } else {
    }
    "tpu.region"() ({
      %run_scoped3A = tpu.sem_alloc : memref<!tpu.dma_semaphore, #tpu.memory_space<semaphore_mem>>
      %dma_start3A = arith.constant 0 : i32
      %dma_start3A_35 = tpu.memref_slice %arg5[%add3A, %dma_start3A] : memref<32x36864xf32, #tpu.memory_space<hbm>> -> memref<1x36864xf32, #tpu.memory_space<hbm>>
      %dma_start3A_36 = tpu.memref_squeeze %dma_start3A_35 : memref<1x36864xf32, #tpu.memory_space<hbm>> -> memref<36864xf32, #tpu.memory_space<hbm>>
      %dma_start3A_37 = arith.constant 0 : i32
      %dma_start3A_38 = tpu.memref_slice %arg5[%add3A, %dma_start3A_37] : memref<32x36864xf32, #tpu.memory_space<hbm>> -> memref<1x36864xf32, #tpu.memory_space<hbm>>
      %dma_start3A_39 = tpu.memref_squeeze %dma_start3A_38 : memref<1x36864xf32, #tpu.memory_space<hbm>> -> memref<36864xf32, #tpu.memory_space<hbm>>
      tpu.enqueue_dma source(%arg6 : memref<36864xf32, #tpu.memory_space<vmem>>) target(%dma_start3A_39 : memref<36864xf32, #tpu.memory_space<hbm>>) target_semaphore(%run_scoped3A : memref<!tpu.dma_semaphore, #tpu.memory_space<semaphore_mem>>)
      %dma_wait3A = arith.constant 0 : i32
      %dma_wait3A_40 = tpu.memref_slice %arg5[%add3A, %dma_wait3A] : memref<32x36864xf32, #tpu.memory_space<hbm>> -> memref<1x36864xf32, #tpu.memory_space<hbm>>
      %dma_wait3A_41 = tpu.memref_squeeze %dma_wait3A_40 : memref<1x36864xf32, #tpu.memory_space<hbm>> -> memref<36864xf32, #tpu.memory_space<hbm>>
      %dma_wait3A_42 = arith.constant 0 : i32
      %dma_wait3A_43 = tpu.memref_slice %arg5[%add3A, %dma_wait3A_42] : memref<32x36864xf32, #tpu.memory_space<hbm>> -> memref<1x36864xf32, #tpu.memory_space<hbm>>
      %dma_wait3A_44 = tpu.memref_squeeze %dma_wait3A_43 : memref<1x36864xf32, #tpu.memory_space<hbm>> -> memref<36864xf32, #tpu.memory_space<hbm>>
      tpu.wait_dma2 semaphore(%run_scoped3A : memref<!tpu.dma_semaphore, #tpu.memory_space<semaphore_mem>>) src(%arg6 : memref<36864xf32, #tpu.memory_space<vmem>>) dst(%dma_wait3A_44 : memref<36864xf32, #tpu.memory_space<hbm>>)
      tpu.yield
    }) : () -> ()
    return
  }
}

module attributes {stable_mosaic.version = 14 : i64} {
  func.func @_score_body(%arg0: i32, %arg1: memref<10000x128xf32, #tpu.memory_space<vmem>>, %arg2: memref<128x64xbf16, #tpu.memory_space<vmem>>, %arg3: memref<1x64xf32, #tpu.memory_space<vmem>>, %arg4: memref<64x1xbf16, #tpu.memory_space<vmem>>, %arg5: memref<10000x1xf32, #tpu.memory_space<vmem>>) attributes {dimension_semantics = [#tpu.dimension_semantics<arbitrary>], iteration_bounds = array<i64: 10>, scalar_prefetch = 0 : i64, scratch_operands = 0 : i64, tpu.core_type = #tpu.core_type<tc>, window_params = [{transform_indices = @transform_0, window_bounds = array<i64: 10000, 128>}, {pipeline_mode = #tpu.pipeline_mode<synchronous>, transform_indices = @transform_1, window_bounds = array<i64: 128, 64>}, {pipeline_mode = #tpu.pipeline_mode<synchronous>, transform_indices = @transform_2, window_bounds = array<i64: 1, 64>}, {pipeline_mode = #tpu.pipeline_mode<synchronous>, transform_indices = @transform_3, window_bounds = array<i64: 64, 1>}, {transform_indices = @transform_4, window_bounds = array<i64: 10000, 1>}]} {
    %get3A = arith.constant 0 : index
    %get3A_0 = arith.constant 0 : index
    %get3A_1 = vector.load %arg1[%get3A, %get3A_0] : memref<10000x128xf32, #tpu.memory_space<vmem>>, vector<10000x128xf32>
    %convert_element_type3A = arith.truncf %get3A_1 : vector<10000x128xf32> to vector<10000x128xbf16>
    %get3A_2 = arith.constant 0 : index
    %get3A_3 = arith.constant 0 : index
    %get3A_4 = vector.load %arg2[%get3A_2, %get3A_3] : memref<128x64xbf16, #tpu.memory_space<vmem>>, vector<128x64xbf16>
    %dot_general3A = arith.constant dense<0.000000e+00> : vector<10000x64xf32>
    %dot_general3A_5 = tpu.matmul %convert_element_type3A, %get3A_4, %dot_general3A {dimension_numbers = #tpu.dot_dimension_numbers<[1], [0], [0], [1], [0, 0, 1, 1], [], []>, transpose_lhs_hint = false} : vector<10000x128xbf16>, vector<128x64xbf16>, vector<10000x64xf32> -> vector<10000x64xf32>
    %get3A_6 = arith.constant 0 : index
    %get3A_7 = arith.constant 0 : index
    %get3A_8 = vector.load %arg3[%get3A_6, %get3A_7] : memref<1x64xf32, #tpu.memory_space<vmem>>, vector<1x64xf32>
    %add3A = vector.broadcast %get3A_8 : vector<1x64xf32> to vector<10000x64xf32>
    %add3A_9 = arith.addf %dot_general3A_5, %add3A : vector<10000x64xf32>
    %tanh3A = math.tanh %add3A_9 : vector<10000x64xf32>
    %convert_element_type3A_10 = arith.truncf %tanh3A : vector<10000x64xf32> to vector<10000x64xbf16>
    %get3A_11 = arith.constant 0 : index
    %get3A_12 = arith.constant 0 : index
    %get3A_13 = vector.load %arg4[%get3A_11, %get3A_12] : memref<64x1xbf16, #tpu.memory_space<vmem>>, vector<64x1xbf16>
    %dot_general3A_14 = arith.constant dense<0.000000e+00> : vector<10000x1xf32>
    %dot_general3A_15 = tpu.matmul %convert_element_type3A_10, %get3A_13, %dot_general3A_14 {dimension_numbers = #tpu.dot_dimension_numbers<[1], [0], [0], [1], [0, 0, 1, 1], [], []>, transpose_lhs_hint = false} : vector<10000x64xbf16>, vector<64x1xbf16>, vector<10000x1xf32> -> vector<10000x1xf32>
    %swap3A = arith.constant 0 : index
    %swap3A_16 = arith.constant 0 : index
    %swap3A_17 = vector.load %arg5[%swap3A, %swap3A_16] : memref<10000x1xf32, #tpu.memory_space<vmem>>, vector<10000x1xf32>
    tpu.vector_store %arg5[%swap3A, %swap3A_16], %dot_general3A_15 {strides = array<i32>} : memref<10000x1xf32, #tpu.memory_space<vmem>>, vector<10000x1xf32>,
    return
  }
  func.func @transform_0(%arg0: i32) -> (i32, i32) {
    %c0_i32 = arith.constant 0 : i32
    %c0_i32_0 = arith.constant 0 : i32
    return %arg0, %c0_i32 : i32, i32
  }
  func.func @transform_1(%arg0: i32) -> (i32, i32) {
    %c0_i32 = arith.constant 0 : i32
    %c0_i32_0 = arith.constant 0 : i32
    %c0_i32_1 = arith.constant 0 : i32
    return %c0_i32, %c0_i32_0 : i32, i32
  }
  func.func @transform_2(%arg0: i32) -> (i32, i32) {
    %c0_i32 = arith.constant 0 : i32
    %c0_i32_0 = arith.constant 0 : i32
    %c0_i32_1 = arith.constant 0 : i32
    return %c0_i32, %c0_i32_0 : i32, i32
  }
  func.func @transform_3(%arg0: i32) -> (i32, i32) {
    %c0_i32 = arith.constant 0 : i32
    %c0_i32_0 = arith.constant 0 : i32
    %c0_i32_1 = arith.constant 0 : i32
    return %c0_i32, %c0_i32_0 : i32, i32
  }
  func.func @transform_4(%arg0: i32) -> (i32, i32) {
    %c0_i32 = arith.constant 0 : i32
    %c0_i32_0 = arith.constant 0 : i32
    return %arg0, %c0_i32 : i32, i32
  }
}

module attributes {stable_mosaic.version = 14 : i64} {
  func.func @_combine_body(%arg0: memref<32x36864xf32, #tpu.memory_space<vmem>>, %arg1: memref<256x128xf32, #tpu.memory_space<vmem>>) attributes {dimension_semantics = [], scalar_prefetch = 0 : i64, scratch_operands = 0 : i64, tpu.core_type = #tpu.core_type<tc>} {
    %get3A = arith.constant 0 : index
    %get3A_0 = arith.constant 0 : index
    %get3A_1 = vector.load %arg0[%get3A, %get3A_0] : memref<32x36864xf32, #tpu.memory_space<vmem>>, vector<32x36864xf32>
    %reshape3A = vector.shape_cast %get3A_1 : vector<32x36864xf32> to vector<32x256x144xf32>
    %reduce_sum3A = arith.constant dense<0.000000e+00> : vector<256x144xf32>
    %reduce_sum3A_2 = vector.multi_reduction <add>, %reshape3A, %reduce_sum3A [0] : vector<32x256x144xf32> to vector<256x144xf32>
    %slice3A = vector.extract_strided_slice %reduce_sum3A_2 {offsets = [0, 0], sizes = [256, 128], strides = [1, 1]} : vector<256x144xf32> to vector<256x128xf32>
    %slice3A_3 = vector.extract_strided_slice %reduce_sum3A_2 {offsets = [0, 128], sizes = [256, 16], strides = [1, 1]} : vector<256x144xf32> to vector<256x16xf32>
    %reduce_sum3A_4 = arith.constant dense<0.000000e+00> : vector<256xf32>
    %reduce_sum3A_5 = vector.multi_reduction <add>, %slice3A_3, %reduce_sum3A_4 [1] : vector<256x16xf32> to vector<256xf32>
    %broadcast_in_dim3A = vector.shape_cast %reduce_sum3A_5 : vector<256xf32> to vector<256x1xf32>
    %mul3A = arith.constant 6.250000e-02 : f32
    %mul3A_6 = vector.broadcast %mul3A : f32 to vector<256x1xf32>
    %mul3A_7 = arith.mulf %broadcast_in_dim3A, %mul3A_6 : vector<256x1xf32>
    %add3A = arith.constant 1.000000e-16 : f32
    %add3A_8 = vector.broadcast %add3A : f32 to vector<256x1xf32>
    %add3A_9 = arith.addf %mul3A_7, %add3A_8 : vector<256x1xf32>
    %div3A = arith.constant 1.000000e+00 : f32
    %div3A_10 = vector.broadcast %div3A : f32 to vector<256x1xf32>
    %div3A_11 = arith.divf %div3A_10, %add3A_9 : vector<256x1xf32>
    %mul3A_12 = vector.broadcast %div3A_11 : vector<256x1xf32> to vector<256x128xf32>
    %mul3A_13 = arith.mulf %slice3A, %mul3A_12 : vector<256x128xf32>
    %swap3A = arith.constant 0 : index
    %swap3A_14 = arith.constant 0 : index
    %swap3A_15 = vector.load %arg1[%swap3A, %swap3A_14] : memref<256x128xf32, #tpu.memory_space<vmem>>, vector<256x128xf32>
    tpu.vector_store %arg1[%swap3A, %swap3A_14], %mul3A_13 {strides = array<i32>} : memref<256x128xf32, #tpu.memory_space<vmem>>, vector<256x128xf32>,
    return
  }
}

</mosaic_0001>

<sc_bundles>
// kernel: kernel.5.cloned.1.call-start
scs
__scs_entry_jumppad:
0x0: {  	(pc) =	sbr.rel $0x88, $3  }
0x1: {  	(tag) =	ssettag $0x0;
	lr =	simm.s32 $0x1  }
0x2: {  	[smem:$0x3F9C] =	sst lr;
	_ =	strace $0xD0000000  }
0x3: {  	_ = 	snop  }
0x4: {  	_ = 	snop  }
0x5: {  	_ = 	snop  }
0x6: {  	_ = 	snop  }
0x7: {  	_ = 	snop  }
__scs_overlays_trampoline_lowered:
0x8: {  	[smem:$0x3FAB] =	sst s0  }
0x9: {  	[smem:$0x3FAC] =	sst s1  }
0xa: {  	[smem:$0x3FAD] =	sst s2  }
0xb: {  	[smem:$0x3FAE] =	sst s3  }
0xc: {  	[smem:$0x3FAF] =	sst s4  }
0xd: {  	[smem:$0x3FB0] =	sst s5  }
0xe: {  	[smem:$0x3FB1] =	sst s6  }
0xf: {  	[smem:$0x3FB2] =	sst s7  }
0x10: {  	[smem:$0x3FB3] =	sst s8  }
0x11: {  	[smem:$0x3FB4] =	sst s9;
	s0 =	simm.s32 @!p0 $0x0  }
0x12: {  	s1 =	sld [smem:$0x3F9A];
	s0 =	simm.s32 @p0 $0x1  }
0x13: {  	[smem:$0x3FB5] =	sst s0;
	s0 =	simm.s32 @!p1 $0x0  }
0x14: {  	s2 =	sld [smem:$0x3F99];
	s0 =	simm.s32 @p1 $0x1  }
0x15: {  	[smem:$0x3FB6] =	sst s0;
	s0 =	simm.s32 @!p2 $0x0  }
0x16: {  	s3 =	sld [smem:$0x3FDB];
	s0 =	simm.s32 @p2 $0x1  }
0x17: {  	s4 =	simm.s32 $0x1BF5;
	[smem:$0x3FB8] =	sst s0  }
0x18: {  	s0 =	sld [smem:$0x3F9B];
	_ =	swait.ge [sflag:s4], $0x0  }
0x19: {  	s7 =	sld [smem:$0x3F9C]  }
0x1a: {  	s8 =	sadd.s32 $0xFFFFE003, lr  }
0x1b: {  	s9 =	sadd.s32 $0xFFFFFEF7, lr;
	s5 =	simm.s32 $0xFFFFFFFF;
	p2 =	slt.u32 s8, $0xFFFFF086  }
0x1c: {  	p1 =	slt.u32 s9, $0xF7A;
	s5 =	simm.s32 @!p2 $0x0  }
0x1d: {  	s5 =	simm.s32 @p1 $0x1;
	p0 =	seq.s32 s7, s2  }
0x1e: {  	s7 =	smul.u32 @!p0 $0xF7A, s2;
	p2 =	seq.s32 @!p0 s5, $0x0  }
0x1f: {  	s9 =	smul.u32 $0xF7A, s1;
	s8 =	simm.s32 @!p0 $0x1BF5;
	p2 =	por !p2, p0  }
0x20: {  	[sflag:s8] =	ssyncset.s32 @!p0 $0xFFFFF086;
	s6 =	sadd.s32 @!p0 s3, s7;
	s7 =	simm.s32 @!p0 $0x108  }
0x21: {  	s3 =	sadd.s32 s3, s9;
	s6 =	sadd.s32 @!p0 $0x88, s6;
	s7 =	simm.s32 @p2 $0x1082  }
0x22: {  	[simem:s7], [sflag:s8] =	dma.local @!p0 [hbm:s6], $0xF7A  }
0x23: {  	s9 =	sor.u32 $0xD0000000, s2;
	s6 =	simm.s32 $0x108;
	_ =	swait.ge @!p0 [sflag:s8], $0x0  }
0x24: {  	s3 =	sadd.s32 $0x88, s3;
	s6 =	simm.s32 @!p1 $0x1082;
	[sflag:s4] =	ssyncset.s32 $0xFFFFF086  }
0x25: {  	[simem:s6], [sflag:s4] =	dma.local [hbm:s3], $0xF7A  }
0x26: {  	[smem:$0x3F9C] =	sst s1;
	(tag) =	ssettag s2;
	_ =	strace s9  }
0x27: {  	s1 =	sld [smem:$0x3FAC]  }
0x28: {  	s2 =	sld [smem:$0x3FAD]  }
0x29: {  	s4 =	sld [smem:$0x3FAF]  }
0x2a: {  	p0 =	seq.s32 s5, $0x0;
	s5 =	sld [smem:$0x3FB0]  }
0x2b: {  	s6 =	sld [smem:$0x3FB1]  }
0x2c: {  	s7 =	sld [smem:$0x3FB2]  }
0x2d: {  	s3 =	simm.s32 $0x108;
	s8 =	sld [smem:$0x3FB3]  }
0x2e: {  	s3 =	simm.s32 @!p0 $0x1082;
	s9 =	sld [smem:$0x3FB4]  }
0x2f: {  	lr =	sadd.s32 s0, s3;
	s0 =	sld [smem:$0x3FAB]  }
0x30: {  	s3 =	sld [smem:$0x3FAE]  }
0x31: {  	[smem:$0x3FB7] =	sst s10  }
0x32: {  	s10 =	sld [smem:$0x3FB5];
	_ =	sdelay $0x3  }
0x33: {  	p0 =	seq.s32 s10, $0x1;
	s10 =	sld [smem:$0x3FB7];
	_ =	sdelay $0x3  }
0x34: {  	[smem:$0x3FB7] =	sst s10  }
0x35: {  	s10 =	sld [smem:$0x3FB6];
	_ =	sdelay $0x3  }
0x36: {  	p1 =	seq.s32 s10, $0x1;
	s10 =	sld [smem:$0x3FB7];
	_ =	sdelay $0x3  }
0x37: {  	[smem:$0x3FB7] =	sst s10  }
0x38: {  	s10 =	sld [smem:$0x3FB8]  }
0x39: {  	_ = 	snop;
	(pc) =	sbr.ind lr, $3  }
0x3a: {  	_ = 	snop  }
0x3b: {  	_ = 	snop  }
0x3c: {  	p2 =	seq.s32 s10, $0x1;
	s10 =	sld [smem:$0x3FB7]  }
0x3d: {  	_ =	shalt  }
0x3e: {  	_ =	shalt  }
0x3f: {  	_ =	shalt  }
0x40: {  	_ =	shalt  }
0x41: {  	_ =	shalt  }
0x42: {  	_ =	shalt  }
0x43: {  	_ =	shalt  }
0x44: {  	_ =	shalt  }
0x45: {  	_ =	shalt  }
0x46: {  	_ =	shalt  }
0x47: {  	_ =	shalt  }
0x48: {  	_ =	shalt  }
0x49: {  	_ =	shalt  }
0x4a: {  	_ =	shalt  }
0x4b: {  	_ =	shalt  }
0x4c: {  	_ =	shalt  }
0x4d: {  	_ =	shalt  }
0x4e: {  	_ =	shalt  }
0x4f: {  	_ =	shalt  }
0x50: {  	_ =	shalt  }
0x51: {  	_ =	shalt  }
0x52: {  	_ =	shalt  }
0x53: {  	_ =	shalt  }
0x54: {  	_ =	shalt  }
0x55: {  	_ =	shalt  }
0x56: {  	_ =	shalt  }
0x57: {  	_ =	shalt  }
0x58: {  	_ =	shalt  }
0x59: {  	_ =	shalt  }
0x5a: {  	_ =	shalt  }
0x5b: {  	_ =	shalt  }
0x5c: {  	_ =	shalt  }
0x5d: {  	_ =	shalt  }
0x5e: {  	_ =	shalt  }
0x5f: {  	_ =	shalt  }
0x60: {  	_ =	shalt  }
0x61: {  	_ =	shalt  }
0x62: {  	_ =	shalt  }
0x63: {  	_ =	shalt  }
0x64: {  	_ =	shalt  }
0x65: {  	_ =	shalt  }
0x66: {  	_ =	shalt  }
0x67: {  	_ =	shalt  }
0x68: {  	_ =	shalt  }
0x69: {  	_ =	shalt  }
0x6a: {  	_ =	shalt  }
0x6b: {  	_ =	shalt  }
0x6c: {  	_ =	shalt  }
0x6d: {  	_ =	shalt  }
0x6e: {  	_ =	shalt  }
0x6f: {  	_ =	shalt  }
0x70: {  	_ =	shalt  }
0x71: {  	_ =	shalt  }
0x72: {  	_ =	shalt  }
0x73: {  	_ =	shalt  }
0x74: {  	_ =	shalt  }
0x75: {  	_ =	shalt  }
0x76: {  	_ =	shalt  }
0x77: {  	_ =	shalt  }
0x78: {  	_ =	shalt  }
0x79: {  	_ =	shalt  }
0x7a: {  	_ =	shalt  }
0x7b: {  	_ =	shalt  }
0x7c: {  	_ =	shalt  }
0x7d: {  	_ =	shalt  }
0x7e: {  	_ =	shalt  }
0x7f: {  	_ =	shalt  }
0x80: {  	_ =	shalt  }
0x81: {  	_ =	shalt  }
0x82: {  	_ =	shalt  }
0x83: {  	_ =	shalt  }
0x84: {  	_ =	shalt  }
0x85: {  	_ =	shalt  }
0x86: {  	_ =	shalt  }
0x87: {  	_ =	shalt  }
.Lfunc_end0:
.L_simem_size_0:
called_computation_lowered:
.L_overlay_start_0:
0x88: {  	s2 =	sld [smem:$0x3FD9]  }
0x89: {  	s3 =	sld [smem:$0x3FFE];
	_ =	sdelay $0x1  }
0x8a: {  	s1 =	srdreg.scid  }
0x8b: {  	s0 =	sand.u32 $0x1, s1  }
0x8c: {  	s17 =	sshll.u32 s0, $0xA;
	s2 =	sadd.s32 s3, s2  }
0x8d: {  	s2 =	sadd.s32 s2, s17  }
0x8e: {  	[smem:$0x3FC3] =	sst s2  }
0x8f: {  	_ = 	snop  }
0x90: {  	s2 =	sld [smem:$0x3FC9];
	(tm) =	ssettm $0x1  }
0x91: {  	s18 =	sld [smem:$0x3FFB];
	_ =	sdelay $0x3  }
0x92: {  	_ =	strace s18  }
0x93: {  	s3 =	sld [smem:$0x3FFC];
	_ =	sdelay $0x3  }
0x94: {  	_ =	strace s3  }
0x95: {  	s3 =	sld [smem:$0x3FFD];
	_ =	sdelay $0x3  }
0x96: {  	_ =	strace s3  }
0x97: {  	_ =	strace $0x8FFFFFFF  }
0x98: {  	s19 =	sld [smem:$0x3FDB];
	_ =	sdelay $0x1  }
0x99: {  	s4 =	simm.s32 $_scs_section_size  }
0x9a: {  	s5 =	simm.s32 $_size__tile_overlayer_lowered;
	s6 =	simm.s32 $_tile_overlayer_lowered  }
0x9b: {  	s22 =	simm.s32 $0x1BFF;
	s21 =	sshll.u32 s6, $0x1;
	s3 =	sadd.s32 s4, s19  }
0x9c: {  	s7 =	simm.s32 $0x0;
	s20 =	sshll.u32 s5, $0x1;
	s5 =	sadd.s32 s21, s3  }
0x9d: {  	[timem:s7], [sflag:s22] =	dma.local [hbm:s5], s20  }
0x9e: {  	_ =	swait.ge [sflag:s22], s20  }
0x9f: {  	s4 =	ssub.s32 $0x0, s20;
	[sflag:s22] =	ssyncset.done $0x0  }
0xa0: {  	[sflag:s22] =	ssyncadd.s32 s4;
	_ =	sdelay $0x1  }
0xa1: {  	s23 =	simm.s32 $0x1B8B  }
0xa2: {  	_ =	swait.ge [sflag:s23], $0x1  }
0xa3: {  	[sflag:s23] =	ssyncset.done $0x0  }
0xa4: {  	s25 =	simm.s32 $0x1B8E;
	s24 =	sld [smem:$0x3FFE];
	[sflag:s23] =	ssyncadd.s32 $0xFFFFFFFF  }
0xa5: {  	s26 =	simm.s32 $execute0_lowered;
	[smem:$0x3FD2] =	sst s25  }
0xa6: {  	s5 =	sshll.u32 s26, $0x1;
	_ =	strace $0x80000046;
	[dreg:$0x1] =	wrdreg $0xFFFFFFFF  }
0xa7: {  	s28 =	simm.s32 $_size_execute0_lowered;
	s3 =	sadd.s32 s3, s5;
	[dreg:$0x0] =	wrdreg $0x0  }
0xa8: {  	s5 =	sshll.u32 s28, $0x1;
	[dreg:$0x2] =	wrdreg s3  }
0xa9: {  	[dreg:$0x3] =	wrdreg s5  }
0xaa: {  	[dreg:$0x4] =	wrdreg $0xC0  }
0xab: {  	_ =	task [dreg:s7], $0x5FFFF  }
0xac: {  	[dreg:$0x1] =	wrdreg $0xFFFFFFFF  }
0xad: {  	[dreg:$0x0] =	wrdreg $0x60  }
0xae: {  	[dreg:$0x2] =	wrdreg s2  }
0xaf: {  	[dreg:$0x3] =	wrdreg s24  }
0xb0: {  	[dreg:$0x4] =	wrdreg $0x9  }
0xb1: {  	_ =	task.clear_ibuf [dreg:s7], $0x5FFFF;
	_ =	strace $0x90000046  }
0xb2: {  	s29 =	simm.s32 $0x9;
	_ =	strace $0x80000048  }
0xb3: {  	_ =	swait.ge [sflag:s29], $0x1  }
0xb4: {  	[sflag:s29] =	ssyncadd.s32 $0xFFFFFFFF  }
0xb5: {  	_ =	strace $0x90000048  }
0xb6: {  	_ =	sfence  }
0xb7: {  	s30 =	sld [smem:$0x0];
	_ =	sdelay $0x2  }
0xb8: {  	s31 =	sshll.u32 s1, $0xD;
	s1 =	sshrl.u32 s1, $0x2  }
0xb9: {  	s3 =	sand.u32 $0x4000, s31;
	s1 =	sadd.s32 s1, s30  }
0xba: {  	s0 =	sor.u32 s3, s0;
	s1 =	sshll.u32 s1, $0x11  }
0xbb: {  	s0 =	sor.u32 s1, s0  }
0xbc: {  	s0 =	sadd.s32 $0x8F2B, s0  }
0xbd: {  	[sflag:s0] =	ssyncadd.remote.s32 $0x1  }
0xbe: {  	_ =	sfence.sel $0xFFFF  }
0xbf: {  	[dreg:$0x0] =	wrdreg $0xFFFFFFFF;
	(pc) =	sbr.abs _section_cstart, $3  }
0xc0: {  	[dreg:$0x1] =	wrdreg $0xFFFFFFFF  }
0xc1: {  	_ =	task.clear_ibuf [dreg:s7], $0x2FFFF;
	_ =	strace $0x9FFFFFFF  }
0xc2: {  	(tm) =	ssettm $0x7FFFFFFF  }
0xc3: {  	_ =	shalt  }
tec
execute0_lowered:
.L_overlay_start_1:
0x0: {  	(tag) =	ssettag $0x1  }
0x1: {  	s0 =	srdreg.scid;
	s2 =	rddreg [dreg:$0x0]  }
0x2: {  	s10 =	rddreg [dreg:$0x1];
	s3 =	simm.s32 $0x0;
	s13 =	simm.s32 $0x9000  }
0x3: {  	s14 =	simm.s32 $0x1;
	s15 =	simm.s32 $0xD000;
	s16 =	simm.s32 $0xD080  }
0x4: {  	s18 =	simm.s32 $0x400;
	s19 =	simm.s32 $0x0;
	s6 =	sand.u32 $0x1, s0  }
0x5: {  	s0 =	stileid.u32;
	[smem:$0x7FF] =	sst s3;
	s1 =	sshll.u32 s6, $0x4  }
0x6: {  	s5 =	sshll.u32 s0, $0x7;
	s6 =	ssub.s32 $0x2, s6;
	s17 =	sor.u32 s0, s1  }
0x7: {  	s1 =	rddreg [dreg:$0x2];
	_ =	strace $0x80000047;
	s4 =	sshrl.u32 s17, $0x3  }
0x8: {  	s8 =	sand.u32 $0x380, s5;
	s31 =	sshrl.u32 s6, $0x1;
	s7 =	smul.u32 $0x48000, s4  }
0x9: {  	s5 =	sadd.s32 $0x400, s10;
	s9 =	smul.u32 $0xC00, s17;
	s12 =	ssub.s32 s6, s31  }
0xa: {  	p0 =	slt.u32 s17, $0xD;
	s7 =	sor.u32 s8, s7;
	s8 =	smul.u32 $0xC80, s17  }
.Ltmp0:
0xb: {  	s4 =	sadd.s32 $0x18A000, s10;
	s12 =	smax.u32 s12, $0x1;
	(pc) =	sbr.rel .LBB2_1-.Ltmp0, $4  }
0xc: {  	s6 =	sadd.s32 $0x680, s9;
	s9 =	sadd.s32 $0x18D0D0, s10;
	s7 =	sshrl.u32 s7, $0x3  }
0xd: {  	s11 =	sadd.s32 s7, s10;
	s7 =	simm.s32 $0x19;
	s6 =	smov.u32 @p0 s8  }
0xe: {  	s8 =	sadd.s32 $0x186800, s2;
	s10 =	sadd.s32 $0x34D0, s10;
	s7 =	simm.s32 @!p0 $0x18  }
0xf: {  	v0 =	vimm.f32 $0.0e+00;
	s11 =	sadd.s32 $0x3600, s11;
	p0 =	sne.s32 s17, $0x1F;
	s17 =	simm.s32 $0x80  }
.LBB2_11:
0x10: {  	s19 =	sadd.s32 $0x1, s19  }
0x11: {  	p1 =	sne.s32 s19, s12  }
.Ltmp1:
0x12: {  	_ = 	snop;
	(pc) =	sbr.rel @!p1 .LBB2_12-.Ltmp1, $4  }
0x13: {  	[hbm4b:s11+s17] =	stream.strided.scatter [tilespmem:s3], [sflag:$0x1], $0x9000, s18, s17, $0x38;
	[tilespmem:$0xD280] =	vst v63  }
0x14: {  	_ =	swait.ge [sflag:s14], $0x9000  }
0x15: {  	[sflag:s14] =	ssyncset.done $0x0  }
0x16: {  	[sflag:s14] =	ssyncadd.s32 $0xFFFF7000  }
.LBB2_1:
0x17: {  	s20 =	simm.s32 $0x40;
	s21 =	simm.s32 $0x0  }
.LBB2_2:
0x18: {  	p1 =	sne.s32 s20, $0x23FC0;
	[tilespmem:s21+$0x0] =	vst v0;
	s21 =	smov.u32 s20;
	s20 =	sadd.s32 $0x40, s20  }
.Ltmp2:
0x19: {  	(pc) =	sbr.rel @p1 .LBB2_2-.Ltmp2, $2  }
0x1a: {  	_ =	sdelay $0x2  }
0x1b: {  	s21 =	sshra.s32 s21, $0x2  }
0x1c: {  	[tilespmem:s21+$0x0] =	vst v0;
	s20 =	simm.s32 $0x0;
	s21 =	simm.s32 $0x0  }
.LBB2_4:
0x1d: {  	s22 =	sshll.u32 s21, $0x7  }
0x1e: {  	s22 =	sadd.s32 s6, s22  }
0x1f: {  	s23 =	sshll.u32 s22, $0x4  }
0x20: {  	s23 =	sand.u32 $0x1FFFF800, s23  }
0x21: {  	s23 =	sadd.s32 s2, s23  }
0x22: {  	[tilespmem:s13], [sflag:$0x1] =	stream.linear.gather [hbm4b:s23+s20], $0x4000, $0x38;
	[tilespmem:$0xD280] =	vst v63  }
0x23: {  	_ =	swait.ge [sflag:s14], $0x4000  }
0x24: {  	s22 =	sshrl.u32 s22, $0x3;
	[sflag:s14] =	ssyncset.done $0x0  }
0x25: {  	s28 =	sadd.s32 s4, s22;
	[sflag:s14] =	ssyncadd.s32 $0xFFFFC000  }
0x26: {  	[tilespmem:s15], [sflag:$0x1] =	stream.linear.gather [hbm4b:s28+s20], $0x80, $0x38;
	[tilespmem:$0xD280] =	vst v63  }
0x27: {  	_ =	swait.ge [sflag:s14], $0x80  }
0x28: {  	[sflag:s14] =	ssyncset.done $0x0  }
0x29: {  	s22 =	sadd.s32 s5, s22;
	[sflag:s14] =	ssyncadd.s32 $0xFFFFFF80  }
0x2a: {  	[tilespmem:s16], [sflag:$0x1] =	stream.linear.gather [hbm4b:s22+s20], $0x80, $0x38;
	[tilespmem:$0xD280] =	vst v63  }
0x2b: {  	_ =	swait.ge [sflag:s14], $0x80  }
0x2c: {  	[sflag:s14] =	ssyncset.done $0x0  }
0x2d: {  	[sflag:s14] =	ssyncadd.s32 $0xFFFFFF80  }
0x2e: {  	v1 =	vld [tilespmem:$0xD000]  }
0x2f: {  	v2 =	vld [tilespmem:$0xD010]  }
0x30: {  	v3 =	vld [tilespmem:$0xD020]  }
0x31: {  	v4 =	vld [tilespmem:$0xD030]  }
0x32: {  	v5 =	vld [tilespmem:$0xD040]  }
0x33: {  	v6 =	vld [tilespmem:$0xD050];
	v1 =	vmul.f32 $1.442695020e+00, v1  }
0x34: {  	v7 =	vld [tilespmem:$0xD060];
	v2 =	vmul.f32 $1.442695020e+00, v2  }
0x35: {  	(erf) = vpow2.f32 v1;
	v1 =	vmul.f32 $1.442695020e+00, v3;
	v3 =	vld [tilespmem:$0xD070]  }
0x36: {  	(erf) = vpow2.f32 v2;
	v2 =	vmul.f32 $1.442695020e+00, v4  }
0x37: {  	(erf) = vpow2.f32 v1;
	v1 =	vmul.f32 $1.442695020e+00, v5  }
0x38: {  	(erf) = vpow2.f32 v2;
	v2 =	vmul.f32 $1.442695020e+00, v6  }
0x39: {  	(erf) = vpow2.f32 v1;
	v1 =	vmul.f32 $1.442695020e+00, v7  }
0x3a: {  	(erf) = vpow2.f32 v2;
	v2 =	vmul.f32 $1.442695020e+00, v3  }
0x3b: {  	(erf) = vpow2.f32 v1  }
0x3c: {  	(erf) = vpow2.f32 v2;
	_ =	sdelay $0x1  }
0x3d: {  	v1 =	vpop (erf)  }
0x3e: {  	v2 =	vpop (erf);
	[tilespmem:$0xD180] =	vst v1  }
0x3f: {  	v1 =	vpop (erf);
	[tilespmem:$0xD190] =	vst v2  }
0x40: {  	v2 =	vpop (erf);
	[tilespmem:$0xD1A0] =	vst v1  }
0x41: {  	v1 =	vpop (erf);
	[tilespmem:$0xD1B0] =	vst v2  }
0x42: {  	v2 =	vpop (erf);
	[tilespmem:$0xD1C0] =	vst v1  }
0x43: {  	v1 =	vpop (erf);
	[tilespmem:$0xD1D0] =	vst v2  }
0x44: {  	[tilespmem:$0xD1E0] =	vst v1;
	v1 =	vpop (erf)  }
0x45: {  	s29 =	simm.s32 $0x0;
	[tilespmem:$0xD1F0] =	vst v1  }
0x46: {  	v1 =	vld [tilespmem:s29+$0xD080];
	_ =	sdelay $0x4  }
0x47: {  	(v2sf) =	vpush v1, $0x0;
	_ =	sdelay $0xd  }
0x48: {  	v1 =	vld [tilespmem:s29+$0xD180]  }
0x49: {  	s30 =	spop (v2sf)  }
0x4a: {  	s31 =	scvt.f32.s32 s30  }
0x4b: {  	s22 =	simm.s32 $0x9040  }
0x4c: {  	v2 =	vld [tilespmem:s22+$0xFFFFFFC0];
	s24 =	smul.u32 $0x90, s31  }
0x4d: {  	v1 =	vadd.f32 $0.0e+00, v1  }
0x4e: {  	v3 =	vld [tilespmem:s24+$0x0]  }
0x4f: {  	v1 =	vbroadcast v1, $0x0;
	_ =	sdelay $0x1  }
0x50: {  	v2 =	vmul.f32 v1, v2;
	_ =	sdelay $0x1  }
0x51: {  	v2 =	vadd.f32 v2, v3;
	_ =	sdelay $0x1  }
0x52: {  	[tilespmem:s24+$0x0] =	vst v2  }
0x53: {  	v2 =	vld [tilespmem:s22+$0xFFFFFFD0];
	_ =	sdelay $0x1  }
0x54: {  	v3 =	vld [tilespmem:s24+$0x10];
	_ =	sdelay $0x2  }
0x55: {  	v2 =	vmul.f32 v2, v1;
	_ =	sdelay $0x1  }
0x56: {  	v2 =	vadd.f32 v2, v3;
	_ =	sdelay $0x1  }
0x57: {  	[tilespmem:s24+$0x10] =	vst v2  }
0x58: {  	v2 =	vld [tilespmem:s22+$0xFFFFFFE0];
	_ =	sdelay $0x1  }
0x59: {  	v3 =	vld [tilespmem:s24+$0x20];
	_ =	sdelay $0x2  }
0x5a: {  	v2 =	vmul.f32 v2, v1;
	_ =	sdelay $0x1  }
0x5b: {  	v2 =	vadd.f32 v2, v3;
	_ =	sdelay $0x1  }
0x5c: {  	[tilespmem:s24+$0x20] =	vst v2  }
0x5d: {  	v2 =	vld [tilespmem:s22+$0xFFFFFFF0];
	_ =	sdelay $0x1  }
0x5e: {  	v3 =	vld [tilespmem:s24+$0x30];
	_ =	sdelay $0x2  }
0x5f: {  	v2 =	vmul.f32 v2, v1;
	_ =	sdelay $0x1  }
0x60: {  	v2 =	vadd.f32 v2, v3;
	_ =	sdelay $0x1  }
0x61: {  	[tilespmem:s24+$0x30] =	vst v2  }
0x62: {  	v2 =	vld [tilespmem:s22+$0x0];
	_ =	sdelay $0x1  }
0x63: {  	v3 =	vld [tilespmem:s24+$0x40];
	_ =	sdelay $0x2  }
0x64: {  	v2 =	vmul.f32 v2, v1;
	_ =	sdelay $0x1  }
0x65: {  	v2 =	vadd.f32 v2, v3;
	_ =	sdelay $0x1  }
0x66: {  	[tilespmem:s24+$0x40] =	vst v2  }
0x67: {  	v2 =	vld [tilespmem:s22+$0x10];
	_ =	sdelay $0x1  }
0x68: {  	v3 =	vld [tilespmem:s24+$0x50];
	_ =	sdelay $0x2  }
0x69: {  	v2 =	vmul.f32 v2, v1;
	_ =	sdelay $0x1  }
0x6a: {  	v2 =	vadd.f32 v2, v3;
	_ =	sdelay $0x1  }
0x6b: {  	[tilespmem:s24+$0x50] =	vst v2  }
0x6c: {  	v2 =	vld [tilespmem:s22+$0x20];
	_ =	sdelay $0x1  }
0x6d: {  	v3 =	vld [tilespmem:s24+$0x60];
	_ =	sdelay $0x2  }
0x6e: {  	v2 =	vmul.f32 v2, v1;
	_ =	sdelay $0x1  }
0x6f: {  	v2 =	vadd.f32 v2, v3;
	_ =	sdelay $0x1  }
0x70: {  	[tilespmem:s24+$0x60] =	vst v2  }
0x71: {  	v2 =	vld [tilespmem:s22+$0x30]  }
0x72: {  	v3 =	vld [tilespmem:s24+$0x80]  }
0x73: {  	v63 =	vld [tilespmem:s24+$0x70];
	_ =	sdelay $0x2  }
0x74: {  	v2 =	vmul.f32 v2, v1  }
0x75: {  	v1 =	vadd.f32 v3, v1  }
0x76: {  	v2 =	vadd.f32 v2, v63  }
0x77: {  	[tilespmem:s24+$0x80] =	vst v1  }
0x78: {  	s25 =	simm.s32 $0x1;
	s23 =	simm.s32 $0x8;
	[tilespmem:s24+$0x70] =	vst v2  }
.LBB2_5:
0x79: {  	p1 =	sne.s32 s23, $0x1FC;
	v1 =	vld [tilespmem:s25+$0xD080];
	s22 =	sadd.s32 $0x80, s22  }
0x7a: {  	v2 =	vld [tilespmem:s22+$0xFFFFFFC0];
	_ =	sdelay $0x3  }
0x7b: {  	(v2sf) =	vpush v1, $0x0;
	_ =	sdelay $0xd  }
0x7c: {  	v1 =	vld [tilespmem:s25+$0xD180]  }
0x7d: {  	s24 =	spop (v2sf)  }
0x7e: {  	s24 =	scvt.f32.s32 s24;
	_ =	sdelay $0x1  }
0x7f: {  	s24 =	smul.u32 $0x90, s24  }
0x80: {  	v1 =	vadd.f32 $0.0e+00, v1  }
0x81: {  	v3 =	vld [tilespmem:s24+$0x0]  }
0x82: {  	v1 =	vbroadcast v1, $0x0;
	v4 =	vld [tilespmem:s24+$0x80];
	_ =	sdelay $0x1  }
0x83: {  	v2 =	vmul.f32 v1, v2;
	_ =	sdelay $0x1  }
0x84: {  	v2 =	vadd.f32 v2, v3  }
0x85: {  	v3 =	vadd.f32 v4, v1  }
0x86: {  	[tilespmem:s24+$0x0] =	vst v2  }
0x87: {  	v2 =	vld [tilespmem:s22+$0xFFFFFFD0];
	_ =	sdelay $0x1  }
0x88: {  	v4 =	vld [tilespmem:s24+$0x10];
	_ =	sdelay $0x2  }
0x89: {  	v2 =	vmul.f32 v2, v1;
	_ =	sdelay $0x1  }
0x8a: {  	v2 =	vadd.f32 v2, v4;
	_ =	sdelay $0x1  }
0x8b: {  	[tilespmem:s24+$0x10] =	vst v2  }
0x8c: {  	v2 =	vld [tilespmem:s22+$0xFFFFFFE0];
	_ =	sdelay $0x1  }
0x8d: {  	v4 =	vld [tilespmem:s24+$0x20];
	_ =	sdelay $0x2  }
0x8e: {  	v2 =	vmul.f32 v2, v1;
	_ =	sdelay $0x1  }
0x8f: {  	v2 =	vadd.f32 v2, v4;
	_ =	sdelay $0x1  }
0x90: {  	[tilespmem:s24+$0x20] =	vst v2  }
0x91: {  	v2 =	vld [tilespmem:s22+$0xFFFFFFF0];
	_ =	sdelay $0x1  }
0x92: {  	v4 =	vld [tilespmem:s24+$0x30];
	_ =	sdelay $0x2  }
0x93: {  	v2 =	vmul.f32 v2, v1;
	_ =	sdelay $0x1  }
0x94: {  	v2 =	vadd.f32 v2, v4;
	_ =	sdelay $0x1  }
0x95: {  	[tilespmem:s24+$0x30] =	vst v2  }
0x96: {  	v2 =	vld [tilespmem:s22+$0x0];
	_ =	sdelay $0x1  }
0x97: {  	v4 =	vld [tilespmem:s24+$0x40];
	_ =	sdelay $0x2  }
0x98: {  	v2 =	vmul.f32 v2, v1;
	_ =	sdelay $0x1  }
0x99: {  	v2 =	vadd.f32 v2, v4;
	_ =	sdelay $0x1  }
0x9a: {  	[tilespmem:s24+$0x40] =	vst v2  }
0x9b: {  	v2 =	vld [tilespmem:s22+$0x10];
	_ =	sdelay $0x1  }
0x9c: {  	v4 =	vld [tilespmem:s24+$0x50];
	_ =	sdelay $0x2  }
0x9d: {  	v2 =	vmul.f32 v2, v1;
	_ =	sdelay $0x1  }
0x9e: {  	v2 =	vadd.f32 v2, v4;
	_ =	sdelay $0x1  }
0x9f: {  	[tilespmem:s24+$0x50] =	vst v2  }
0xa0: {  	v2 =	vld [tilespmem:s22+$0x20];
	_ =	sdelay $0x1  }
0xa1: {  	v4 =	vld [tilespmem:s24+$0x60];
	_ =	sdelay $0x2  }
0xa2: {  	v2 =	vmul.f32 v2, v1;
	_ =	sdelay $0x1  }
0xa3: {  	v2 =	vadd.f32 v2, v4;
	_ =	sdelay $0x1  }
0xa4: {  	[tilespmem:s24+$0x60] =	vst v2  }
0xa5: {  	v2 =	vld [tilespmem:s22+$0x30];
	[tilespmem:s24+$0x80] =	vst v3;
	_ =	sdelay $0x1  }
0xa6: {  	v3 =	vld [tilespmem:s24+$0x70];
	_ =	sdelay $0x2  }
.Ltmp3:
0xa7: {  	v1 =	vmul.f32 v2, v1;
	(pc) =	sbr.rel @p1 .LBB2_5-.Ltmp3, $3  }
0xa8: {  	_ = 	snop  }
0xa9: {  	v1 =	vadd.f32 v1, v3;
	_ =	sdelay $0x1  }
0xaa: {  	s25 =	sshra.s32 s23, $0x2;
	s23 =	sadd.s32 $0x4, s23;
	[tilespmem:s24+$0x70] =	vst v1  }
0xab: {  	v1 =	vld [tilespmem:s25+$0xD080];
	_ =	sdelay $0x4  }
0xac: {  	(v2sf) =	vpush v1, $0x0;
	_ =	sdelay $0xd  }
0xad: {  	v1 =	vld [tilespmem:s25+$0xD180]  }
0xae: {  	s23 =	spop (v2sf)  }
0xaf: {  	s23 =	scvt.f32.s32 s23  }
0xb0: {  	s22 =	sadd.s32 $0x80, s22  }
0xb1: {  	v2 =	vld [tilespmem:s22+$0xFFFFFFC0];
	s23 =	smul.u32 $0x90, s23  }
0xb2: {  	v1 =	vadd.f32 $0.0e+00, v1  }
0xb3: {  	v3 =	vld [tilespmem:s23+$0x0]  }
0xb4: {  	v1 =	vbroadcast v1, $0x0;
	_ =	sdelay $0x1  }
0xb5: {  	v2 =	vmul.f32 v1, v2;
	_ =	sdelay $0x1  }
0xb6: {  	v2 =	vadd.f32 v2, v3;
	_ =	sdelay $0x1  }
0xb7: {  	[tilespmem:s23+$0x0] =	vst v2  }
0xb8: {  	v2 =	vld [tilespmem:s22+$0xFFFFFFD0];
	_ =	sdelay $0x1  }
0xb9: {  	v3 =	vld [tilespmem:s23+$0x10];
	_ =	sdelay $0x2  }
0xba: {  	v2 =	vmul.f32 v2, v1;
	_ =	sdelay $0x1  }
0xbb: {  	v2 =	vadd.f32 v2, v3;
	_ =	sdelay $0x1  }
0xbc: {  	[tilespmem:s23+$0x10] =	vst v2  }
0xbd: {  	v2 =	vld [tilespmem:s22+$0xFFFFFFE0];
	_ =	sdelay $0x1  }
0xbe: {  	v3 =	vld [tilespmem:s23+$0x20];
	_ =	sdelay $0x2  }
0xbf: {  	v2 =	vmul.f32 v2, v1;
	_ =	sdelay $0x1  }
0xc0: {  	v2 =	vadd.f32 v2, v3;
	_ =	sdelay $0x1  }
0xc1: {  	[tilespmem:s23+$0x20] =	vst v2  }
0xc2: {  	v2 =	vld [tilespmem:s22+$0xFFFFFFF0];
	_ =	sdelay $0x1  }
0xc3: {  	v3 =	vld [tilespmem:s23+$0x30];
	_ =	sdelay $0x2  }
0xc4: {  	v2 =	vmul.f32 v2, v1;
	_ =	sdelay $0x1  }
0xc5: {  	v2 =	vadd.f32 v2, v3;
	_ =	sdelay $0x1  }
0xc6: {  	[tilespmem:s23+$0x30] =	vst v2  }
0xc7: {  	v2 =	vld [tilespmem:s22+$0x0];
	_ =	sdelay $0x1  }
0xc8: {  	v3 =	vld [tilespmem:s23+$0x40];
	_ =	sdelay $0x2  }
0xc9: {  	v2 =	vmul.f32 v2, v1;
	_ =	sdelay $0x1  }
0xca: {  	v2 =	vadd.f32 v2, v3;
	_ =	sdelay $0x1  }
0xcb: {  	[tilespmem:s23+$0x40] =	vst v2  }
0xcc: {  	v2 =	vld [tilespmem:s22+$0x10];
	_ =	sdelay $0x1  }
0xcd: {  	v3 =	vld [tilespmem:s23+$0x50];
	_ =	sdelay $0x2  }
0xce: {  	v2 =	vmul.f32 v2, v1;
	_ =	sdelay $0x1  }
0xcf: {  	v2 =	vadd.f32 v2, v3;
	_ =	sdelay $0x1  }
0xd0: {  	[tilespmem:s23+$0x50] =	vst v2  }
0xd1: {  	v2 =	vld [tilespmem:s22+$0x20];
	_ =	sdelay $0x1  }
0xd2: {  	v3 =	vld [tilespmem:s23+$0x60];
	_ =	sdelay $0x2  }
0xd3: {  	v2 =	vmul.f32 v2, v1;
	_ =	sdelay $0x1  }
0xd4: {  	v2 =	vadd.f32 v2, v3;
	_ =	sdelay $0x1  }
0xd5: {  	[tilespmem:s23+$0x60] =	vst v2  }
0xd6: {  	v2 =	vld [tilespmem:s22+$0x30]  }
0xd7: {  	v3 =	vld [tilespmem:s23+$0x80]  }
0xd8: {  	v4 =	vld [tilespmem:s23+$0x70]  }
0xd9: {  	s21 =	sadd.s32 $0x1, s21  }
0xda: {  	p1 =	sne.s32 s21, s7  }
.Ltmp4:
0xdb: {  	v2 =	vmul.f32 v2, v1;
	(pc) =	sbr.rel @p1 .LBB2_4-.Ltmp4, $4  }
0xdc: {  	v1 =	vadd.f32 v3, v1  }
0xdd: {  	v2 =	vadd.f32 v2, v4  }
0xde: {  	[tilespmem:s23+$0x80] =	vst v1  }
0xdf: {  	[tilespmem:s23+$0x70] =	vst v2  }
.Ltmp5:
0xe0: {  	(pc) =	sbr.rel @p0 .LBB2_11-.Ltmp5, $1  }
0xe1: {  	_ =	sdelay $0x3  }
0xe2: {  	s20 =	simm.s32 $0x0  }
0xe3: {  	[tilespmem:s13], [sflag:$0x1] =	stream.linear.gather [hbm4b:s8+s20], $0x1000, $0x38;
	[tilespmem:$0xD280] =	vst v63  }
0xe4: {  	_ =	swait.ge [sflag:s14], $0x1000  }
0xe5: {  	[sflag:s14] =	ssyncset.done $0x0  }
0xe6: {  	[sflag:s14] =	ssyncadd.s32 $0xFFFFF000  }
0xe7: {  	[tilespmem:s15], [sflag:$0x1] =	stream.linear.gather [hbm4b:s9+s20], $0x20, $0x38;
	[tilespmem:$0xD280] =	vst v63  }
0xe8: {  	_ =	swait.ge [sflag:s14], $0x20  }
0xe9: {  	[sflag:s14] =	ssyncset.done $0x0  }
0xea: {  	[sflag:s14] =	ssyncadd.s32 $0xFFFFFFE0  }
0xeb: {  	[tilespmem:s16], [sflag:$0x1] =	stream.linear.gather [hbm4b:s10+s20], $0x20, $0x38;
	[tilespmem:$0xD280] =	vst v63  }
0xec: {  	_ =	swait.ge [sflag:s14], $0x20  }
0xed: {  	[sflag:s14] =	ssyncset.done $0x0  }
0xee: {  	[sflag:s14] =	ssyncadd.s32 $0xFFFFFFE0  }
0xef: {  	v1 =	vld [tilespmem:$0xD000]  }
0xf0: {  	v2 =	vld [tilespmem:$0xD010];
	_ =	sdelay $0x3  }
0xf1: {  	v1 =	vmul.f32 $1.442695020e+00, v1  }
0xf2: {  	v2 =	vmul.f32 $1.442695020e+00, v2  }
0xf3: {  	(erf) = vpow2.f32 v1  }
0xf4: {  	(erf) = vpow2.f32 v2;
	_ =	sdelay $0x7  }
0xf5: {  	v1 =	vpop (erf)  }
0xf6: {  	[tilespmem:$0xD180] =	vst v1;
	v1 =	vpop (erf)  }
0xf7: {  	s30 =	simm.s32 $0x0;
	[tilespmem:$0xD190] =	vst v1  }
0xf8: {  	v1 =	vld [tilespmem:s30+$0xD080];
	_ =	sdelay $0x4  }
0xf9: {  	(v2sf) =	vpush v1, $0x0;
	_ =	sdelay $0xd  }
0xfa: {  	v1 =	vld [tilespmem:s30+$0xD180]  }
0xfb: {  	s31 =	spop (v2sf)  }
0xfc: {  	s21 =	scvt.f32.s32 s31  }
0xfd: {  	s20 =	simm.s32 $0x9040  }
0xfe: {  	v2 =	vld [tilespmem:s20+$0xFFFFFFC0];
	s22 =	smul.u32 $0x90, s21  }
0xff: {  	v1 =	vadd.f32 $0.0e+00, v1  }
0x100: {  	v3 =	vld [tilespmem:s22+$0x0]  }
0x101: {  	v1 =	vbroadcast v1, $0x0;
	_ =	sdelay $0x1  }
0x102: {  	v2 =	vmul.f32 v1, v2;
	_ =	sdelay $0x1  }
0x103: {  	v2 =	vadd.f32 v2, v3;
	_ =	sdelay $0x1  }
0x104: {  	[tilespmem:s22+$0x0] =	vst v2  }
0x105: {  	v2 =	vld [tilespmem:s20+$0xFFFFFFD0];
	_ =	sdelay $0x1  }
0x106: {  	v3 =	vld [tilespmem:s22+$0x10];
	_ =	sdelay $0x2  }
0x107: {  	v2 =	vmul.f32 v2, v1;
	_ =	sdelay $0x1  }
0x108: {  	v2 =	vadd.f32 v2, v3;
	_ =	sdelay $0x1  }
0x109: {  	[tilespmem:s22+$0x10] =	vst v2  }
0x10a: {  	v2 =	vld [tilespmem:s20+$0xFFFFFFE0];
	_ =	sdelay $0x1  }
0x10b: {  	v3 =	vld [tilespmem:s22+$0x20];
	_ =	sdelay $0x2  }
0x10c: {  	v2 =	vmul.f32 v2, v1;
	_ =	sdelay $0x1  }
0x10d: {  	v2 =	vadd.f32 v2, v3;
	_ =	sdelay $0x1  }
0x10e: {  	[tilespmem:s22+$0x20] =	vst v2  }
0x10f: {  	v2 =	vld [tilespmem:s20+$0xFFFFFFF0];
	_ =	sdelay $0x1  }
0x110: {  	v3 =	vld [tilespmem:s22+$0x30];
	_ =	sdelay $0x2  }
0x111: {  	v2 =	vmul.f32 v2, v1;
	_ =	sdelay $0x1  }
0x112: {  	v2 =	vadd.f32 v2, v3;
	_ =	sdelay $0x1  }
0x113: {  	[tilespmem:s22+$0x30] =	vst v2  }
0x114: {  	v2 =	vld [tilespmem:s20+$0x0];
	_ =	sdelay $0x1  }
0x115: {  	v3 =	vld [tilespmem:s22+$0x40];
	_ =	sdelay $0x2  }
0x116: {  	v2 =	vmul.f32 v2, v1;
	_ =	sdelay $0x1  }
0x117: {  	v2 =	vadd.f32 v2, v3;
	_ =	sdelay $0x1  }
0x118: {  	[tilespmem:s22+$0x40] =	vst v2  }
0x119: {  	v2 =	vld [tilespmem:s20+$0x10];
	_ =	sdelay $0x1  }
0x11a: {  	v3 =	vld [tilespmem:s22+$0x50];
	_ =	sdelay $0x2  }
0x11b: {  	v2 =	vmul.f32 v2, v1;
	_ =	sdelay $0x1  }
0x11c: {  	v2 =	vadd.f32 v2, v3;
	_ =	sdelay $0x1  }
0x11d: {  	[tilespmem:s22+$0x50] =	vst v2  }
0x11e: {  	v2 =	vld [tilespmem:s20+$0x20];
	_ =	sdelay $0x1  }
0x11f: {  	v3 =	vld [tilespmem:s22+$0x60];
	_ =	sdelay $0x2  }
0x120: {  	v2 =	vmul.f32 v2, v1;
	_ =	sdelay $0x1  }
0x121: {  	v2 =	vadd.f32 v2, v3;
	_ =	sdelay $0x1  }
0x122: {  	[tilespmem:s22+$0x60] =	vst v2  }
0x123: {  	v2 =	vld [tilespmem:s20+$0x30]  }
0x124: {  	v3 =	vld [tilespmem:s22+$0x80]  }
0x125: {  	v4 =	vld [tilespmem:s22+$0x70];
	_ =	sdelay $0x2  }
0x126: {  	v2 =	vmul.f32 v2, v1  }
0x127: {  	v1 =	vadd.f32 v3, v1  }
0x128: {  	v2 =	vadd.f32 v2, v4  }
0x129: {  	[tilespmem:s22+$0x80] =	vst v1  }
0x12a: {  	s23 =	simm.s32 $0x1;
	s21 =	simm.s32 $0x8;
	[tilespmem:s22+$0x70] =	vst v2  }
.LBB2_9:
0x12b: {  	p1 =	sne.s32 s21, $0x7C;
	v1 =	vld [tilespmem:s23+$0xD080];
	s20 =	sadd.s32 $0x80, s20  }
0x12c: {  	v2 =	vld [tilespmem:s20+$0xFFFFFFC0];
	_ =	sdelay $0x3  }
0x12d: {  	(v2sf) =	vpush v1, $0x0;
	_ =	sdelay $0xd  }
0x12e: {  	v1 =	vld [tilespmem:s23+$0xD180]  }
0x12f: {  	s22 =	spop (v2sf)  }
0x130: {  	s22 =	scvt.f32.s32 s22;
	_ =	sdelay $0x1  }
0x131: {  	s22 =	smul.u32 $0x90, s22  }
0x132: {  	v1 =	vadd.f32 $0.0e+00, v1  }
0x133: {  	v3 =	vld [tilespmem:s22+$0x0]  }
0x134: {  	v1 =	vbroadcast v1, $0x0;
	v4 =	vld [tilespmem:s22+$0x80];
	_ =	sdelay $0x1  }
0x135: {  	v2 =	vmul.f32 v1, v2;
	_ =	sdelay $0x1  }
0x136: {  	v2 =	vadd.f32 v2, v3  }
0x137: {  	v3 =	vadd.f32 v4, v1  }
0x138: {  	[tilespmem:s22+$0x0] =	vst v2  }
0x139: {  	v2 =	vld [tilespmem:s20+$0xFFFFFFD0];
	_ =	sdelay $0x1  }
0x13a: {  	v4 =	vld [tilespmem:s22+$0x10];
	_ =	sdelay $0x2  }
0x13b: {  	v2 =	vmul.f32 v2, v1;
	_ =	sdelay $0x1  }
0x13c: {  	v2 =	vadd.f32 v2, v4;
	_ =	sdelay $0x1  }
0x13d: {  	[tilespmem:s22+$0x10] =	vst v2  }
0x13e: {  	v2 =	vld [tilespmem:s20+$0xFFFFFFE0];
	_ =	sdelay $0x1  }
0x13f: {  	v4 =	vld [tilespmem:s22+$0x20];
	_ =	sdelay $0x2  }
0x140: {  	v2 =	vmul.f32 v2, v1;
	_ =	sdelay $0x1  }
0x141: {  	v2 =	vadd.f32 v2, v4;
	_ =	sdelay $0x1  }
0x142: {  	[tilespmem:s22+$0x20] =	vst v2  }
0x143: {  	v2 =	vld [tilespmem:s20+$0xFFFFFFF0];
	_ =	sdelay $0x1  }
0x144: {  	v4 =	vld [tilespmem:s22+$0x30];
	_ =	sdelay $0x2  }
0x145: {  	v2 =	vmul.f32 v2, v1;
	_ =	sdelay $0x1  }
0x146: {  	v2 =	vadd.f32 v2, v4;
	_ =	sdelay $0x1  }
0x147: {  	[tilespmem:s22+$0x30] =	vst v2  }
0x148: {  	v2 =	vld [tilespmem:s20+$0x0];
	_ =	sdelay $0x1  }
0x149: {  	v4 =	vld [tilespmem:s22+$0x40];
	_ =	sdelay $0x2  }
0x14a: {  	v2 =	vmul.f32 v2, v1;
	_ =	sdelay $0x1  }
0x14b: {  	v2 =	vadd.f32 v2, v4;
	_ =	sdelay $0x1  }
0x14c: {  	[tilespmem:s22+$0x40] =	vst v2  }
0x14d: {  	v2 =	vld [tilespmem:s20+$0x10];
	_ =	sdelay $0x1  }
0x14e: {  	v4 =	vld [tilespmem:s22+$0x50];
	_ =	sdelay $0x2  }
0x14f: {  	v2 =	vmul.f32 v2, v1;
	_ =	sdelay $0x1  }
0x150: {  	v2 =	vadd.f32 v2, v4;
	_ =	sdelay $0x1  }
0x151: {  	[tilespmem:s22+$0x50] =	vst v2  }
0x152: {  	v2 =	vld [tilespmem:s20+$0x20];
	_ =	sdelay $0x1  }
0x153: {  	v4 =	vld [tilespmem:s22+$0x60];
	_ =	sdelay $0x2  }
0x154: {  	v2 =	vmul.f32 v2, v1;
	_ =	sdelay $0x1  }
0x155: {  	v2 =	vadd.f32 v2, v4;
	_ =	sdelay $0x1  }
0x156: {  	[tilespmem:s22+$0x60] =	vst v2  }
0x157: {  	v2 =	vld [tilespmem:s20+$0x30];
	[tilespmem:s22+$0x80] =	vst v3;
	_ =	sdelay $0x1  }
0x158: {  	v3 =	vld [tilespmem:s22+$0x70];
	_ =	sdelay $0x2  }
.Ltmp6:
0x159: {  	v1 =	vmul.f32 v2, v1;
	(pc) =	sbr.rel @p1 .LBB2_9-.Ltmp6, $3  }
0x15a: {  	_ = 	snop  }
0x15b: {  	v1 =	vadd.f32 v1, v3;
	_ =	sdelay $0x1  }
0x15c: {  	s23 =	sshra.s32 s21, $0x2;
	s21 =	sadd.s32 $0x4, s21;
	[tilespmem:s22+$0x70] =	vst v1  }
0x15d: {  	v1 =	vld [tilespmem:s23+$0xD080];
	_ =	sdelay $0x4  }
0x15e: {  	(v2sf) =	vpush v1, $0x0;
	_ =	sdelay $0xd  }
0x15f: {  	v1 =	vld [tilespmem:s23+$0xD180]  }
0x160: {  	s21 =	spop (v2sf)  }
0x161: {  	s21 =	scvt.f32.s32 s21  }
0x162: {  	s20 =	sadd.s32 $0x80, s20  }
0x163: {  	v2 =	vld [tilespmem:s20+$0xFFFFFFC0];
	s21 =	smul.u32 $0x90, s21  }
0x164: {  	v1 =	vadd.f32 $0.0e+00, v1  }
0x165: {  	v3 =	vld [tilespmem:s21+$0x0]  }
0x166: {  	v1 =	vbroadcast v1, $0x0;
	_ =	sdelay $0x1  }
0x167: {  	v2 =	vmul.f32 v1, v2;
	_ =	sdelay $0x1  }
0x168: {  	v2 =	vadd.f32 v2, v3;
	_ =	sdelay $0x1  }
0x169: {  	[tilespmem:s21+$0x0] =	vst v2  }
0x16a: {  	v2 =	vld [tilespmem:s20+$0xFFFFFFD0];
	_ =	sdelay $0x1  }
0x16b: {  	v3 =	vld [tilespmem:s21+$0x10];
	_ =	sdelay $0x2  }
0x16c: {  	v2 =	vmul.f32 v2, v1;
	_ =	sdelay $0x1  }
0x16d: {  	v2 =	vadd.f32 v2, v3;
	_ =	sdelay $0x1  }
0x16e: {  	[tilespmem:s21+$0x10] =	vst v2  }
0x16f: {  	v2 =	vld [tilespmem:s20+$0xFFFFFFE0];
	_ =	sdelay $0x1  }
0x170: {  	v3 =	vld [tilespmem:s21+$0x20];
	_ =	sdelay $0x2  }
0x171: {  	v2 =	vmul.f32 v2, v1;
	_ =	sdelay $0x1  }
0x172: {  	v2 =	vadd.f32 v2, v3;
	_ =	sdelay $0x1  }
0x173: {  	[tilespmem:s21+$0x20] =	vst v2  }
0x174: {  	v2 =	vld [tilespmem:s20+$0xFFFFFFF0];
	_ =	sdelay $0x1  }
0x175: {  	v3 =	vld [tilespmem:s21+$0x30];
	_ =	sdelay $0x2  }
0x176: {  	v2 =	vmul.f32 v2, v1;
	_ =	sdelay $0x1  }
0x177: {  	v2 =	vadd.f32 v2, v3;
	_ =	sdelay $0x1  }
0x178: {  	[tilespmem:s21+$0x30] =	vst v2  }
0x179: {  	v2 =	vld [tilespmem:s20+$0x0];
	_ =	sdelay $0x1  }
0x17a: {  	v3 =	vld [tilespmem:s21+$0x40];
	_ =	sdelay $0x2  }
0x17b: {  	v2 =	vmul.f32 v2, v1;
	_ =	sdelay $0x1  }
0x17c: {  	v2 =	vadd.f32 v2, v3;
	_ =	sdelay $0x1  }
0x17d: {  	[tilespmem:s21+$0x40] =	vst v2  }
0x17e: {  	v2 =	vld [tilespmem:s20+$0x10];
	_ =	sdelay $0x1  }
0x17f: {  	v3 =	vld [tilespmem:s21+$0x50];
	_ =	sdelay $0x2  }
0x180: {  	v2 =	vmul.f32 v2, v1;
	_ =	sdelay $0x1  }
0x181: {  	v2 =	vadd.f32 v2, v3;
	_ =	sdelay $0x1  }
0x182: {  	[tilespmem:s21+$0x50] =	vst v2  }
0x183: {  	v2 =	vld [tilespmem:s20+$0x20];
	_ =	sdelay $0x1  }
0x184: {  	v3 =	vld [tilespmem:s21+$0x60];
	_ =	sdelay $0x2  }
0x185: {  	v2 =	vmul.f32 v2, v1;
	_ =	sdelay $0x1  }
0x186: {  	v2 =	vadd.f32 v2, v3;
	_ =	sdelay $0x1  }
0x187: {  	[tilespmem:s21+$0x60] =	vst v2  }
0x188: {  	v2 =	vld [tilespmem:s20+$0x30]  }
0x189: {  	v3 =	vld [tilespmem:s21+$0x80]  }
0x18a: {  	v4 =	vld [tilespmem:s21+$0x70];
	_ =	sdelay $0x2  }
.Ltmp7:
0x18b: {  	v2 =	vmul.f32 v2, v1;
	(pc) =	sbr.rel .LBB2_11-.Ltmp7, $4  }
0x18c: {  	v1 =	vadd.f32 v3, v1  }
0x18d: {  	v2 =	vadd.f32 v2, v4  }
0x18e: {  	[tilespmem:s21+$0x80] =	vst v1  }
0x18f: {  	[tilespmem:s21+$0x70] =	vst v2  }
.LBB2_12:
0x190: {  	_ =	sfence.sel $0x180000  }
0x191: {  	[bflag:$0x0] =	sbarrier.arrive $0xFFFF  }
0x192: {  	p0 =	sne.s32 s0, $0x0;
	_ =	strace $0x90000047  }
0x193: {  	s0 =	sadd.s32 @!p0 $0x100000, s1;
	[bflag:$0x2] =	sbarrier.arrive $0xFFFF  }
0x194: {  	[sflag:s0] =	ssyncadd.tile.s32 @!p0 $0x1;
	_ =	shalt  }
.Lfunc_end2:
_tile_overlayer_lowered:
.L_overlay_start_2:
0x195: {  	(tag) =	ssettag $0x2  }
0x196: {  	s0 =	rddreg [dreg:$0x0];
	s2 =	stileid.u32  }
0x197: {  	s1 =	rddreg [dreg:$0x1];
	p0 =	sne.s32 s2, $0x0  }
0x198: {  	s3 =	rddreg [dreg:$0x2];
	[bflag:$0x3] =	sbarrier.arrive $0xFFFF;
	s2 =	simm.s32 @!p0 $0x1C01  }
0x199: {  	[timem:s3], [sflag:s2] =	dma.local @!p0 [hbm:s0], s1  }
0x19a: {  	s0 =	simm.s32 @!p0 $0x1  }
0x19b: {  	_ =	swait.ge @!p0 [sflag:s0], s1  }
0x19c: {  	s1 =	ssub.s32 @!p0 $0x0, s1;
	[sflag:s0] =	ssyncset.done @!p0 $0x0  }
0x19d: {  	[sflag:s0] =	ssyncadd.s32 @!p0 s1  }
0x19e: {  	[bflag:$0x3] =	sbarrier.arrive $0xFFFF  }
0x19f: {  	_ =	shalt  }

</sc_bundles>
